<compile_context>
chip_gen: v7x
topology: tpu7x:2x2x1
jax: 0.10.2.dev20260603
libtpu: 0.0.44.dev20260713+nightly
codegen_flags: <defaults>
</compile_context>

<pallas_src>
import dataclasses
import functools

import jax
import jax.numpy as jnp
from jax import lax
from jax.experimental import pallas as pl
from jax.experimental.pallas import tpu as pltpu
from jax.experimental.pallas import tpu_sc as plsc

_PX = 512
_PY = 512
_P = _PX * _PY
_B = 2
_N = 100000
_C = 64
_W = 128

_NC = 2
_NS = 16
_LANES = 16

_NPAD = 100352
_SHARE = _NPAD // _NS
_NVREG = _SHARE // _LANES

_CH = 8192
_CHBITS = 13
_HALF = _P // _NC
_NCHUNK = _HALF // _CH

_K = 128
_KBITS = 7
_BINROWS = (_SHARE + _NCHUNK * (_K - 1)) // _K + 1
_ZROWS = _CH // _NS

_SENTINEL = 1 << 30


def _sc_body(x_hbm, idx_hbm, zrow_hbm, out_hbm,
             idx_v, cid_v, lidx_v, rows_a, rows_b, cnt_v, ssem, gsem,
             chunk_sh):
    core = lax.axis_index("c")
    sub = lax.axis_index("s")
    iota = lax.broadcasted_iota(jnp.int32, (_LANES,), 0)
    rowbase = sub * _ZROWS
    zero16 = jnp.zeros((_LANES,), jnp.int32)
    cbase = core * _HALF

    pltpu.sync_copy(zrow_hbm, chunk_sh.at[pl.ds(rowbase, _ZROWS)])
    plsc.subcore_barrier()

    for b in range(_B):
        pltpu.sync_copy(idx_hbm.at[b, pl.ds(sub * _SHARE, _SHARE)], idx_v)

        _hist = jax.named_scope("bin_hist")
        _hist.__enter__()
        cnt_v[pl.ds(0, _LANES)] = zero16
        cnt_v[pl.ds(_LANES, _LANES)] = zero16
        cnt_v[pl.ds(2 * _LANES, _LANES)] = zero16

        def hbody(i, _):
            iv = idx_v[pl.ds(i * _LANES, _LANES)]
            m = jnp.logical_and(iv >= cbase, iv < cbase + _HALF)
            bk = jnp.where(m, (iv - cbase) >> _CHBITS, 0)
            occ, lastm = plsc.scan_count(bk, m)
            plsc.addupdate_scatter(cnt_v, [bk], occ + 1,
                                   mask=jnp.logical_and(lastm, m))
            return 0

        lax.fori_loop(0, _NVREG, hbody, 0)
        _hist.__exit__(None, None, None)

        c0 = cnt_v[pl.ds(0, _LANES)]
        c1 = cnt_v[pl.ds(_LANES, _LANES)]
        a0 = ((c0 + (_K - 1)) >> _KBITS) << _KBITS
        a1 = ((c1 + (_K - 1)) >> _KBITS) << _KBITS
        e0 = plsc.cumsum(a0) - a0
        t0 = jnp.sum(a0)
        e1 = plsc.cumsum(a1) - a1 + t0
        cnt_v[pl.ds(0, _LANES)] = e0
        cnt_v[pl.ds(_LANES, _LANES)] = e1

        _pre = jax.named_scope("bin_prefill")
        _pre.__enter__()
        dummy_lidx = _CH + sub * _LANES + iota

        def fbody(i, _):
            r = i >> 3
            c = (i & 7) * _LANES
            rv = jnp.full((_LANES,), r, jnp.int32)
            cv = c + iota
            plsc.store_scatter(lidx_v, [rv, cv], dummy_lidx)
            plsc.store_scatter(cid_v, [rv, cv],
                               (r * _K + cv + sub * 509) & 8191)
            return 0

        lax.fori_loop(0, _BINROWS * 8, fbody, 0)
        _pre.__exit__(None, None, None)

        _sb = jax.named_scope("bin_scatter")
        _sb.__enter__()

        def sbody(i, _):
            iv = idx_v[pl.ds(i * _LANES, _LANES)]
            m = jnp.logical_and(iv >= cbase, iv < cbase + _HALF)
            l = iv - cbase
            bk = jnp.where(m, l >> _CHBITS, 0)
            occ, lastm = plsc.scan_count(bk, m)
            basev = plsc.load_gather(cnt_v, [bk], mask=m)
            pos = basev + occ
            pid = sub * _SHARE + i * _LANES + iota
            plsc.store_scatter(cid_v, [pos >> 7, pos & 127], pid, mask=m)
            plsc.store_scatter(lidx_v, [pos >> 7, pos & 127],
                               l & (_CH - 1), mask=m)
            plsc.addupdate_scatter(cnt_v, [bk], occ + 1,
                                   mask=jnp.logical_and(lastm, m))
            return 0

        lax.fori_loop(0, _NVREG, sbody, 0)
        _sb.__exit__(None, None, None)

        _cp = jax.named_scope("chunk_passes")
        _cp.__enter__()

        @pl.loop(0, _NCHUNK)
        def _chunk_pass(cc):
            base = cbase + cc * _CH
            lane = cc & (_LANES - 1)
            hi = cc >= _LANES
            ev = jnp.where(hi, e1, e0)
            av = jnp.where(hi, a1, a0)
            onlane = iota == lane
            start = jnp.sum(jnp.where(onlane, ev, 0))
            srow = start >> 7
            nrows = jnp.sum(jnp.where(onlane, av, 0)) >> 7

            def gpair(jj, _):
                r0 = srow + jj * 2
                r1 = r0 + 1
                has_b = jj * 2 + 1 < nrows

                @pl.when(jj > 0)
                def _w0():
                    pltpu.make_async_copy(
                        rows_a, chunk_sh.at[lidx_v.at[r0 - 2]], ssem).wait()

                pltpu.async_copy(x_hbm.at[b].at[cid_v.at[r0]], rows_a, gsem)

                @pl.when(has_b)
                def _hb0():
                    @pl.when(jj > 0)
                    def _w1():
                        pltpu.make_async_copy(
                            rows_b, chunk_sh.at[lidx_v.at[r1 - 2]], ssem).wait()

                    pltpu.async_copy(x_hbm.at[b].at[cid_v.at[r1]], rows_b,
                                     gsem)

                pltpu.make_async_copy(
                    x_hbm.at[b].at[cid_v.at[r0]], rows_a, gsem).wait()
                pltpu.async_copy(rows_a, chunk_sh.at[lidx_v.at[r0]], ssem,
                                 add=True)

                @pl.when(has_b)
                def _hb1():
                    pltpu.make_async_copy(
                        x_hbm.at[b].at[cid_v.at[r1]], rows_b, gsem).wait()
                    pltpu.async_copy(rows_b, chunk_sh.at[lidx_v.at[r1]], ssem,
                                     add=True)

                return 0

            _s1 = jax.named_scope("seg_streams")
            _s1.__enter__()
            lax.fori_loop(0, (nrows + 1) >> 1, gpair, 0)

            @pl.when(nrows >= 1)
            def _ta():
                pltpu.make_async_copy(
                    rows_a, chunk_sh.at[lidx_v.at[srow]], ssem).wait()

            @pl.when(nrows >= 2)
            def _tb():
                pltpu.make_async_copy(
                    rows_b, chunk_sh.at[lidx_v.at[srow]], ssem).wait()

            _s1.__exit__(None, None, None)

            _s2 = jax.named_scope("bar1")
            _s2.__enter__()
            plsc.subcore_barrier()
            _s2.__exit__(None, None, None)
            _s3 = jax.named_scope("copyout")
            _s3.__enter__()
            pltpu.sync_copy(chunk_sh.at[pl.ds(rowbase, _ZROWS)],
                            out_hbm.at[b].at[pl.ds(base + rowbase, _ZROWS)])
            _s3.__exit__(None, None, None)
            _s4 = jax.named_scope("zero")
            _s4.__enter__()
            pltpu.sync_copy(zrow_hbm, chunk_sh.at[pl.ds(rowbase, _ZROWS)])
            _s4.__exit__(None, None, None)
            _s5 = jax.named_scope("bar2")
            _s5.__enter__()
            plsc.subcore_barrier()
            _s5.__exit__(None, None, None)

        _cp.__exit__(None, None, None)


_T_BLK = 8192
_PAD_BLK = 10000


def _transpose_body(in_ref, out_ref):
    out_ref[0, :, :] = in_ref[0, :, 0:_C].T


def _pad_body(x_ref, out_ref):
    out_ref[0, :, 0:_C] = x_ref[0]
    out_ref[0, :, _C:_W] = jnp.zeros((_PAD_BLK, _W - _C), jnp.float32)


def kernel(x, indices):
    x_pad = pl.pallas_call(
        _pad_body,
        grid=(_B, _N // _PAD_BLK),
        in_specs=[pl.BlockSpec((1, _PAD_BLK, _C), lambda b, n: (b, n, 0))],
        out_specs=pl.BlockSpec((1, _PAD_BLK, _W), lambda b, n: (b, n, 0)),
        out_shape=jax.ShapeDtypeStruct((_B, _N, _W), jnp.float32),
    )(x)
    idx_pad = jnp.pad(indices, ((0, 0), (0, _NPAD - _N)),
                      constant_values=_SENTINEL)
    zrow = jnp.zeros((_ZROWS, _W), jnp.float32)

    cp = pltpu.CompilerParams()
    if "needs_layout_passes" in pltpu.CompilerParams.__dataclass_fields__:
        cp = dataclasses.replace(cp, needs_layout_passes=False)
    mesh = plsc.VectorSubcoreMesh(core_axis_name="c", subcore_axis_name="s")
    grid_pw = pl.kernel(
        _sc_body,
        out_type=jax.ShapeDtypeStruct((_B, _P, _W), jnp.float32),
        mesh=mesh,
        scratch_types=[
            pltpu.VMEM((_SHARE,), jnp.int32),
            pltpu.VMEM((_BINROWS, _K), jnp.int32),
            pltpu.VMEM((_BINROWS, _K), jnp.int32),
            pltpu.VMEM((_K, _W), jnp.float32),
            pltpu.VMEM((_K, _W), jnp.float32),
            pltpu.VMEM((3 * _LANES,), jnp.int32),
            pltpu.SemaphoreType.DMA,
            pltpu.SemaphoreType.DMA,
            pltpu.VMEM_SHARED((_CH + _NS * 16, _W), jnp.float32),
        ],
        compiler_params=cp,
    )(x_pad, idx_pad, zrow)

    out = pl.pallas_call(
        _transpose_body,
        grid=(_B, _P // _T_BLK),
        in_specs=[pl.BlockSpec((1, _T_BLK, _W), lambda b, t: (b, t, 0))],
        out_specs=pl.BlockSpec((1, _C, _T_BLK), lambda b, t: (b, 0, t)),
        out_shape=jax.ShapeDtypeStruct((_B, _C, _P), jnp.float32),
    )(grid_pw)
    return out.reshape(_B, _C, _PX, _PY)

# --- scband reference (transcript-rebuilt; emitter-appended) ---
"""Pipeline reference for scband-pillar-feature-net-scatter-71313636983307 (READ-ONLY COPY).

The authoritative reference and input builder live on the scoring server;
editing this copy changes nothing except your own understanding.
"""

import jax, jax.numpy as jnp
import numpy as np

N_PILLARS_X = 512
N_PILLARS_Y = 512
BATCH = 2
N_POINTS = 100000
N_FEAT = 64


def setup_inputs(seed: int = 0) -> dict:
    key = jax.random.key(seed)
    k1, k2 = jax.random.split(key)
    x = jax.random.normal(k1, (BATCH, N_POINTS, N_FEAT), dtype=jnp.float32)
    indices = jax.random.randint(k2, (BATCH, N_POINTS), 0, N_PILLARS_X * N_PILLARS_Y, dtype=jnp.int32)
    return {"x": x, "indices": indices}


def reference(x, indices):
    # torch: indices expanded to (B, N, C); grid.scatter_add_(1, indices, x)
    # => grid[b, indices[b, n], c] += x[b, n, c]
    P = N_PILLARS_X * N_PILLARS_Y
    C = x.shape[2]

    def scatter_one(xb, ib):
        return jnp.zeros((P, C), dtype=xb.dtype).at[ib].add(xb)

    grid = jax.vmap(scatter_one)(x, indices)        # (B, P, C)
    grid = jnp.transpose(grid, (0, 2, 1))           # (B, C, P)
    grid = grid.reshape(grid.shape[0], grid.shape[1], N_PILLARS_X, N_PILLARS_Y)
    return grid

if __name__ == "__main__":
    import jax
    _d = setup_inputs()
    print(jax.jit(kernel)(*tuple(_d.values())))

</pallas_src>

<mosaic_0001>
#map = affine_map<(d0, d1) -> (0, 0, 0)>
#map1 = affine_map<(d0, d1) -> (0, 0)>
module attributes {stable_mosaic.version = 14 : i64} {
  func.func @_sc_body(%arg0: i32, %arg1: i32, %arg2: memref<2x100000x128xf32, #tpu.memory_space<hbm>>, %arg3: memref<2x100352xi32, #tpu.memory_space<hbm>>, %arg4: memref<512x128xf32, #tpu.memory_space<hbm>>, %arg5: memref<2x262144x128xf32, #tpu.memory_space<hbm>>, %arg6: memref<6272xi32, #tpu.memory_space<vmem>>, %arg7: memref<65x128xi32, #tpu.memory_space<vmem>>, %arg8: memref<65x128xi32, #tpu.memory_space<vmem>>, %arg9: memref<128x128xf32, #tpu.memory_space<vmem>>, %arg10: memref<128x128xf32, #tpu.memory_space<vmem>>, %arg11: memref<48xi32, #tpu.memory_space<vmem>>, %arg12: memref<!tpu.dma_semaphore, #tpu.memory_space<semaphore_mem>>, %arg13: memref<!tpu.dma_semaphore, #tpu.memory_space<semaphore_mem>>, %arg14: memref<8448x128xf32, #tpu.memory_space<vmem_shared>>) attributes {dimension_semantics = [#tpu.dimension_semantics<core_parallel>, #tpu.dimension_semantics<subcore_parallel>], iteration_bounds = array<i64: 2, 16>, scalar_prefetch = 0 : i64, scratch_operands = 9 : i64, tpu.core_type = #tpu.core_type<sc_vector_subcore>, window_params = [{transform_indices = #map}, {transform_indices = #map1}, {transform_indices = #map1}, {transform_indices = #map}]} {
    %iota3A = tpu.iota {dimensions = array<i32: 0>} : vector<16xi32>
    %mul3A = arith.constant 512 : i32
    %mul3A_0 = arith.muli %arg1, %mul3A : i32
    %broadcast_in_dim3A = arith.constant 0 : i32
    %broadcast_in_dim3A_1 = vector.broadcast %broadcast_in_dim3A : i32 to vector<16xi32>
    %mul3A_2 = arith.constant 131072 : i32
    %mul3A_3 = arith.muli %arg0, %mul3A_2 : i32
    "tpu.region"() ({
      %run_scoped3A_156 = tpu.sem_alloc : memref<!tpu.dma_semaphore, #tpu.memory_space<semaphore_mem>>
      %dma_start3A = arith.constant 0 : i32
      %dma_start3A_157 = tpu.memref_slice %arg14[%mul3A_0, %dma_start3A] : memref<8448x128xf32, #tpu.memory_space<vmem_shared>> -> memref<512x128xf32, #tpu.memory_space<vmem_shared>>
      tpu.enqueue_dma source(%arg4 : memref<512x128xf32, #tpu.memory_space<hbm>>) target(%dma_start3A_157 : memref<512x128xf32, #tpu.memory_space<vmem_shared>>) target_semaphore(%run_scoped3A_156 : memref<!tpu.dma_semaphore, #tpu.memory_space<semaphore_mem>>)
      %dma_wait3A = arith.constant 0 : i32
      %dma_wait3A_158 = tpu.memref_slice %arg14[%mul3A_0, %dma_wait3A] : memref<8448x128xf32, #tpu.memory_space<vmem_shared>> -> memref<512x128xf32, #tpu.memory_space<vmem_shared>>
      tpu.wait_dma2 semaphore(%run_scoped3A_156 : memref<!tpu.dma_semaphore, #tpu.memory_space<semaphore_mem>>) src(%arg4 : memref<512x128xf32, #tpu.memory_space<hbm>>) dst(%dma_wait3A_158 : memref<512x128xf32, #tpu.memory_space<vmem_shared>>)
      tpu.yield
    }) : () -> ()
    %barrier3A = arith.constant 0 : index
    tpu.barrier barrier_id(%barrier3A)
    %mul3A_4 = arith.constant 6272 : i32
    %mul3A_5 = arith.muli %arg1, %mul3A_4 : i32
    %run_scoped3A = arith.constant 0 : i32
    "tpu.region"() ({
      %run_scoped3A_156 = tpu.sem_alloc : memref<!tpu.dma_semaphore, #tpu.memory_space<semaphore_mem>>
      %dma_start3A = tpu.memref_slice %arg3[%run_scoped3A, %mul3A_5] : memref<2x100352xi32, #tpu.memory_space<hbm>> -> memref<1x6272xi32, #tpu.memory_space<hbm>>
      %dma_start3A_157 = tpu.memref_squeeze %dma_start3A : memref<1x6272xi32, #tpu.memory_space<hbm>> -> memref<6272xi32, #tpu.memory_space<hbm>>
      %dma_start3A_158 = tpu.memref_slice %arg3[%run_scoped3A, %mul3A_5] : memref<2x100352xi32, #tpu.memory_space<hbm>> -> memref<1x6272xi32, #tpu.memory_space<hbm>>
      %dma_start3A_159 = tpu.memref_squeeze %dma_start3A_158 : memref<1x6272xi32, #tpu.memory_space<hbm>> -> memref<6272xi32, #tpu.memory_space<hbm>>
      tpu.enqueue_dma source(%dma_start3A_159 : memref<6272xi32, #tpu.memory_space<hbm>>) target(%arg6 : memref<6272xi32, #tpu.memory_space<vmem>>) target_semaphore(%run_scoped3A_156 : memref<!tpu.dma_semaphore, #tpu.memory_space<semaphore_mem>>)
      %dma_wait3A = tpu.memref_slice %arg3[%run_scoped3A, %mul3A_5] : memref<2x100352xi32, #tpu.memory_space<hbm>> -> memref<1x6272xi32, #tpu.memory_space<hbm>>
      %dma_wait3A_160 = tpu.memref_squeeze %dma_wait3A : memref<1x6272xi32, #tpu.memory_space<hbm>> -> memref<6272xi32, #tpu.memory_space<hbm>>
      %dma_wait3A_161 = tpu.memref_slice %arg3[%run_scoped3A, %mul3A_5] : memref<2x100352xi32, #tpu.memory_space<hbm>> -> memref<1x6272xi32, #tpu.memory_space<hbm>>
      %dma_wait3A_162 = tpu.memref_squeeze %dma_wait3A_161 : memref<1x6272xi32, #tpu.memory_space<hbm>> -> memref<6272xi32, #tpu.memory_space<hbm>>
      tpu.wait_dma2 semaphore(%run_scoped3A_156 : memref<!tpu.dma_semaphore, #tpu.memory_space<semaphore_mem>>) src(%dma_wait3A_162 : memref<6272xi32, #tpu.memory_space<hbm>>) dst(%arg6 : memref<6272xi32, #tpu.memory_space<vmem>>)
      tpu.yield
    }) : () -> ()
    "tpu.trace_start"() <{level = 10 : i32, message = "bin_hist"}> : () -> ()
    %swap3A = arith.constant 0 : index
    %swap3A_6 = tpu.vector_load %arg11[%swap3A] {strides = array<i32>} : memref<48xi32, #tpu.memory_space<vmem>>, vector<16xi32>,
    tpu.vector_store %arg11[%swap3A], %broadcast_in_dim3A_1 {strides = array<i32>} : memref<48xi32, #tpu.memory_space<vmem>>, vector<16xi32>,
    %swap3A_7 = arith.constant 16 : index
    %swap3A_8 = tpu.vector_load %arg11[%swap3A_7] {strides = array<i32>} : memref<48xi32, #tpu.memory_space<vmem>>, vector<16xi32>,
    tpu.vector_store %arg11[%swap3A_7], %broadcast_in_dim3A_1 {strides = array<i32>} : memref<48xi32, #tpu.memory_space<vmem>>, vector<16xi32>,
    %swap3A_9 = arith.constant 32 : index
    %swap3A_10 = tpu.vector_load %arg11[%swap3A_9] {strides = array<i32>} : memref<48xi32, #tpu.memory_space<vmem>>, vector<16xi32>,
    tpu.vector_store %arg11[%swap3A_9], %broadcast_in_dim3A_1 {strides = array<i32>} : memref<48xi32, #tpu.memory_space<vmem>>, vector<16xi32>,
    %scan3A = arith.constant 0 : i32
    %scan3A_11 = arith.constant 0 : i32
    %scan3A_12 = arith.constant 392 : i32
    %scan3A_13 = arith.addi %scan3A_11, %scan3A_12 : i32
    %scan3A_14 = arith.constant 1 : i32
    %scan3A_15 = scf.for %scan3A_156 = %scan3A_11 to %scan3A_13 step %scan3A_14 iter_args(%scan3A_157 = %scan3A) -> (i32)  : i32 {
      %mul3A_158 = arith.constant 16 : i32
      %mul3A_159 = arith.muli %scan3A_156, %mul3A_158 : i32
      %get3A_160 = arith.index_cast %mul3A_159 : i32 to index
      %get3A_161 = tpu.vector_load %arg6[%get3A_160] {strides = array<i32>} : memref<6272xi32, #tpu.memory_space<vmem>>, vector<16xi32>,
      %ge3A = vector.broadcast %mul3A_3 : i32 to vector<16xi32>
      %ge3A_162 = arith.cmpi sge, %get3A_161, %ge3A : vector<16xi32>
      %add3A_163 = arith.constant 131072 : i32
      %add3A_164 = arith.addi %mul3A_3, %add3A_163 : i32
      %lt3A = vector.broadcast %add3A_164 : i32 to vector<16xi32>
      %lt3A_165 = arith.cmpi slt, %get3A_161, %lt3A : vector<16xi32>
      %and3A = arith.andi %ge3A_162, %lt3A_165 : vector<16xi1>
      %sub3A_166 = vector.broadcast %mul3A_3 : i32 to vector<16xi32>
      %sub3A_167 = arith.subi %get3A_161, %sub3A_166 : vector<16xi32>
      %shift_right_arithmetic3A_168 = arith.constant 13 : i32
      %shift_right_arithmetic3A_169 = vector.broadcast %shift_right_arithmetic3A_168 : i32 to vector<16xi32>
      %shift_right_arithmetic3A_170 = arith.shrsi %sub3A_167, %shift_right_arithmetic3A_169 : vector<16xi32>
      %jit3A = arith.constant 0 : i32
      %broadcast_in_dim3A_171 = vector.broadcast %jit3A : i32 to vector<16xi32>
      %select_n3A = arith.select %and3A, %shift_right_arithmetic3A_170, %broadcast_in_dim3A_171 : vector<16xi1>, vector<16xi32>
      %unique3A, %unique3A_172 = tpu.scan_count mask(%and3A : vector<16xi1>) value(%select_n3A : vector<16xi32>) : vector<16xi1>, vector<16xi32>
      %add3A_173 = arith.constant 1 : i32
      %add3A_174 = vector.broadcast %add3A_173 : i32 to vector<16xi32>
      %add3A_175 = arith.addi %unique3A_172, %add3A_174 : vector<16xi32>
      %and3A_176 = arith.andi %unique3A, %and3A : vector<16xi1>
      tpu.vector_store_idx %arg11[%select_n3A], %add3A_175 masked %and3A_176 {add = true} : memref<48xi32, #tpu.memory_space<vmem>>[vector<16xi32>], vector<16xi32>, vector<16xi1>
      %scan3A_177 = arith.constant 0 : i32
      scf.yield %scan3A_177 : i32
    }
    %scan3A_16 = arith.constant 392 : i32
    "tpu.trace_stop"() : () -> ()
    %get3A = arith.constant 0 : index
    %get3A_17 = tpu.vector_load %arg11[%get3A] {strides = array<i32>} : memref<48xi32, #tpu.memory_space<vmem>>, vector<16xi32>,
    %get3A_18 = arith.constant 16 : index
    %get3A_19 = tpu.vector_load %arg11[%get3A_18] {strides = array<i32>} : memref<48xi32, #tpu.memory_space<vmem>>, vector<16xi32>,
    %add3A = arith.constant 127 : i32
    %add3A_20 = vector.broadcast %add3A : i32 to vector<16xi32>
    %add3A_21 = arith.addi %get3A_17, %add3A_20 : vector<16xi32>
    %shift_right_arithmetic3A = arith.constant 7 : i32
    %shift_right_arithmetic3A_22 = vector.broadcast %shift_right_arithmetic3A : i32 to vector<16xi32>
    %shift_right_arithmetic3A_23 = arith.shrsi %add3A_21, %shift_right_arithmetic3A_22 : vector<16xi32>
    %shift_left3A = arith.constant 7 : i32
    %shift_left3A_24 = vector.broadcast %shift_left3A : i32 to vector<16xi32>
    %shift_left3A_25 = arith.shli %shift_right_arithmetic3A_23, %shift_left3A_24 : vector<16xi32>
    %add3A_26 = arith.constant 127 : i32
    %add3A_27 = vector.broadcast %add3A_26 : i32 to vector<16xi32>
    %add3A_28 = arith.addi %get3A_19, %add3A_27 : vector<16xi32>
    %shift_right_arithmetic3A_29 = arith.constant 7 : i32
    %shift_right_arithmetic3A_30 = vector.broadcast %shift_right_arithmetic3A_29 : i32 to vector<16xi32>
    %shift_right_arithmetic3A_31 = arith.shrsi %add3A_28, %shift_right_arithmetic3A_30 : vector<16xi32>
    %shift_left3A_32 = arith.constant 7 : i32
    %shift_left3A_33 = vector.broadcast %shift_left3A_32 : i32 to vector<16xi32>
    %shift_left3A_34 = arith.shli %shift_right_arithmetic3A_31, %shift_left3A_33 : vector<16xi32>
    %broadcast_in_dim3A_35 = arith.constant true
    %broadcast_in_dim3A_36 = vector.broadcast %broadcast_in_dim3A_35 : i1 to vector<16xi1>
    %masked_cumsum3A = tpu.scan <sum>, %shift_left3A_25 masked %broadcast_in_dim3A_36 : vector<16xi32>, vector<16xi1> -> vector<16xi32>
    %sub3A = arith.subi %masked_cumsum3A, %shift_left3A_25 : vector<16xi32>
    %reduce_sum3A = arith.constant true
    %reduce_sum3A_37 = vector.broadcast %reduce_sum3A : i1 to vector<16xi1>
    %reduce_sum3A_38 = tpu.scan <sum>, %shift_left3A_25 masked %reduce_sum3A_37 : vector<16xi32>, vector<16xi1> -> vector<16xi32>
    %reduce_sum3A_39 = vector.extract %reduce_sum3A_38[15] : i32 from vector<16xi32>
    %broadcast_in_dim3A_40 = arith.constant true
    %broadcast_in_dim3A_41 = vector.broadcast %broadcast_in_dim3A_40 : i1 to vector<16xi1>
    %masked_cumsum3A_42 = tpu.scan <sum>, %shift_left3A_34 masked %broadcast_in_dim3A_41 : vector<16xi32>, vector<16xi1> -> vector<16xi32>
    %sub3A_43 = arith.subi %masked_cumsum3A_42, %shift_left3A_34 : vector<16xi32>
    %add3A_44 = vector.broadcast %reduce_sum3A_39 : i32 to vector<16xi32>
    %add3A_45 = arith.addi %sub3A_43, %add3A_44 : vector<16xi32>
    %swap3A_46 = arith.constant 0 : index
    %swap3A_47 = tpu.vector_load %arg11[%swap3A_46] {strides = array<i32>} : memref<48xi32, #tpu.memory_space<vmem>>, vector<16xi32>,
    tpu.vector_store %arg11[%swap3A_46], %sub3A {strides = array<i32>} : memref<48xi32, #tpu.memory_space<vmem>>, vector<16xi32>,
    %swap3A_48 = arith.constant 16 : index
    %swap3A_49 = tpu.vector_load %arg11[%swap3A_48] {strides = array<i32>} : memref<48xi32, #tpu.memory_space<vmem>>, vector<16xi32>,
    tpu.vector_store %arg11[%swap3A_48], %add3A_45 {strides = array<i32>} : memref<48xi32, #tpu.memory_space<vmem>>, vector<16xi32>,
    "tpu.trace_start"() <{level = 10 : i32, message = "bin_prefill"}> : () -> ()
    %mul3A_50 = arith.constant 16 : i32
    %mul3A_51 = arith.muli %arg1, %mul3A_50 : i32
    %add3A_52 = arith.constant 8192 : i32
    %add3A_53 = arith.addi %add3A_52, %mul3A_51 : i32
    %add3A_54 = vector.broadcast %add3A_53 : i32 to vector<16xi32>
    %add3A_55 = arith.addi %add3A_54, %iota3A : vector<16xi32>
    %scan3A_56 = arith.constant 0 : i32
    %scan3A_57 = arith.constant 0 : i32
    %scan3A_58 = arith.constant 520 : i32
    %scan3A_59 = arith.addi %scan3A_57, %scan3A_58 : i32
    %scan3A_60 = arith.constant 1 : i32
    %scan3A_61 = scf.for %scan3A_156 = %scan3A_57 to %scan3A_59 step %scan3A_60 iter_args(%scan3A_157 = %scan3A_56) -> (i32)  : i32 {
      %shift_right_arithmetic3A_158 = arith.constant 3 : i32
      %shift_right_arithmetic3A_159 = arith.shrsi %scan3A_156, %shift_right_arithmetic3A_158 : i32
      %and3A = arith.constant 7 : i32
      %and3A_160 = arith.andi %scan3A_156, %and3A : i32
      %mul3A_161 = arith.constant 16 : i32
      %mul3A_162 = arith.muli %and3A_160, %mul3A_161 : i32
      %broadcast_in_dim3A_163 = vector.broadcast %shift_right_arithmetic3A_159 : i32 to vector<16xi32>
      %add3A_164 = vector.broadcast %mul3A_162 : i32 to vector<16xi32>
      %add3A_165 = arith.addi %add3A_164, %iota3A : vector<16xi32>
      tpu.vector_store_idx %arg8[%broadcast_in_dim3A_163, %add3A_165], %add3A_55 : memref<65x128xi32, #tpu.memory_space<vmem>>[vector<16xi32>, vector<16xi32>], vector<16xi32>,
      %mul3A_166 = arith.constant 128 : i32
      %mul3A_167 = arith.muli %shift_right_arithmetic3A_159, %mul3A_166 : i32
      %add3A_168 = vector.broadcast %mul3A_167 : i32 to vector<16xi32>
      %add3A_169 = arith.addi %add3A_168, %add3A_165 : vector<16xi32>
      %mul3A_170 = arith.constant 509 : i32
      %mul3A_171 = arith.muli %arg1, %mul3A_170 : i32
      %add3A_172 = vector.broadcast %mul3A_171 : i32 to vector<16xi32>
      %add3A_173 = arith.addi %add3A_169, %add3A_172 : vector<16xi32>
      %and3A_174 = arith.constant 8191 : i32
      %and3A_175 = vector.broadcast %and3A_174 : i32 to vector<16xi32>
      %and3A_176 = arith.andi %add3A_173, %and3A_175 : vector<16xi32>
      tpu.vector_store_idx %arg7[%broadcast_in_dim3A_163, %add3A_165], %and3A_176 : memref<65x128xi32, #tpu.memory_space<vmem>>[vector<16xi32>, vector<16xi32>], vector<16xi32>,
      %scan3A_177 = arith.constant 0 : i32
      scf.yield %scan3A_177 : i32
    }
    %scan3A_62 = arith.constant 520 : i32
    "tpu.trace_stop"() : () -> ()
    "tpu.trace_start"() <{level = 10 : i32, message = "bin_scatter"}> : () -> ()
    %scan3A_63 = arith.constant 0 : i32
    %scan3A_64 = arith.constant 0 : i32
    %scan3A_65 = arith.constant 392 : i32
    %scan3A_66 = arith.addi %scan3A_64, %scan3A_65 : i32
    %scan3A_67 = arith.constant 1 : i32
    %scan3A_68 = scf.for %scan3A_156 = %scan3A_64 to %scan3A_66 step %scan3A_67 iter_args(%scan3A_157 = %scan3A_63) -> (i32)  : i32 {
      %mul3A_158 = arith.constant 16 : i32
      %mul3A_159 = arith.muli %scan3A_156, %mul3A_158 : i32
      %get3A_160 = arith.index_cast %mul3A_159 : i32 to index
      %get3A_161 = tpu.vector_load %arg6[%get3A_160] {strides = array<i32>} : memref<6272xi32, #tpu.memory_space<vmem>>, vector<16xi32>,
      %ge3A = vector.broadcast %mul3A_3 : i32 to vector<16xi32>
      %ge3A_162 = arith.cmpi sge, %get3A_161, %ge3A : vector<16xi32>
      %add3A_163 = arith.constant 131072 : i32
      %add3A_164 = arith.addi %mul3A_3, %add3A_163 : i32
      %lt3A = vector.broadcast %add3A_164 : i32 to vector<16xi32>
      %lt3A_165 = arith.cmpi slt, %get3A_161, %lt3A : vector<16xi32>
      %and3A = arith.andi %ge3A_162, %lt3A_165 : vector<16xi1>
      %sub3A_166 = vector.broadcast %mul3A_3 : i32 to vector<16xi32>
      %sub3A_167 = arith.subi %get3A_161, %sub3A_166 : vector<16xi32>
      %shift_right_arithmetic3A_168 = arith.constant 13 : i32
      %shift_right_arithmetic3A_169 = vector.broadcast %shift_right_arithmetic3A_168 : i32 to vector<16xi32>
      %shift_right_arithmetic3A_170 = arith.shrsi %sub3A_167, %shift_right_arithmetic3A_169 : vector<16xi32>
      %jit3A = arith.constant 0 : i32
      %broadcast_in_dim3A_171 = vector.broadcast %jit3A : i32 to vector<16xi32>
      %select_n3A = arith.select %and3A, %shift_right_arithmetic3A_170, %broadcast_in_dim3A_171 : vector<16xi1>, vector<16xi32>
      %unique3A, %unique3A_172 = tpu.scan_count mask(%and3A : vector<16xi1>) value(%select_n3A : vector<16xi32>) : vector<16xi1>, vector<16xi32>
      %gather3A = tpu.vector_load_idx %arg11[%select_n3A] masked %and3A : memref<48xi32, #tpu.memory_space<vmem>>[vector<16xi32>], vector<16xi32>, vector<16xi1>
      %add3A_173 = arith.addi %gather3A, %unique3A_172 : vector<16xi32>
      %mul3A_174 = arith.constant 6272 : i32
      %mul3A_175 = arith.muli %arg1, %mul3A_174 : i32
      %mul3A_176 = arith.constant 16 : i32
      %mul3A_177 = arith.muli %scan3A_156, %mul3A_176 : i32
      %add3A_178 = arith.addi %mul3A_175, %mul3A_177 : i32
      %add3A_179 = vector.broadcast %add3A_178 : i32 to vector<16xi32>
      %add3A_180 = arith.addi %add3A_179, %iota3A : vector<16xi32>
      %shift_right_arithmetic3A_181 = arith.constant 7 : i32
      %shift_right_arithmetic3A_182 = vector.broadcast %shift_right_arithmetic3A_181 : i32 to vector<16xi32>
      %shift_right_arithmetic3A_183 = arith.shrsi %add3A_173, %shift_right_arithmetic3A_182 : vector<16xi32>
      %and3A_184 = arith.constant 127 : i32
      %and3A_185 = vector.broadcast %and3A_184 : i32 to vector<16xi32>
      %and3A_186 = arith.andi %add3A_173, %and3A_185 : vector<16xi32>
      tpu.vector_store_idx %arg7[%shift_right_arithmetic3A_183, %and3A_186], %add3A_180 masked %and3A : memref<65x128xi32, #tpu.memory_space<vmem>>[vector<16xi32>, vector<16xi32>], vector<16xi32>, vector<16xi1>
      %shift_right_arithmetic3A_187 = arith.constant 7 : i32
      %shift_right_arithmetic3A_188 = vector.broadcast %shift_right_arithmetic3A_187 : i32 to vector<16xi32>
      %shift_right_arithmetic3A_189 = arith.shrsi %add3A_173, %shift_right_arithmetic3A_188 : vector<16xi32>
      %and3A_190 = arith.constant 127 : i32
      %and3A_191 = vector.broadcast %and3A_190 : i32 to vector<16xi32>
      %and3A_192 = arith.andi %add3A_173, %and3A_191 : vector<16xi32>
      %and3A_193 = arith.constant 8191 : i32
      %and3A_194 = vector.broadcast %and3A_193 : i32 to vector<16xi32>
      %and3A_195 = arith.andi %sub3A_167, %and3A_194 : vector<16xi32>
      tpu.vector_store_idx %arg8[%shift_right_arithmetic3A_189, %and3A_192], %and3A_195 masked %and3A : memref<65x128xi32, #tpu.memory_space<vmem>>[vector<16xi32>, vector<16xi32>], vector<16xi32>, vector<16xi1>
      %add3A_196 = arith.constant 1 : i32
      %add3A_197 = vector.broadcast %add3A_196 : i32 to vector<16xi32>
      %add3A_198 = arith.addi %unique3A_172, %add3A_197 : vector<16xi32>
      %and3A_199 = arith.andi %unique3A, %and3A : vector<16xi1>
      tpu.vector_store_idx %arg11[%select_n3A], %add3A_198 masked %and3A_199 {add = true} : memref<48xi32, #tpu.memory_space<vmem>>[vector<16xi32>], vector<16xi32>, vector<16xi1>
      %scan3A_200 = arith.constant 0 : i32
      scf.yield %scan3A_200 : i32
    }
    %scan3A_69 = arith.constant 392 : i32
    "tpu.trace_stop"() : () -> ()
    "tpu.trace_start"() <{level = 10 : i32, message = "chunk_passes"}> : () -> ()
    %scan3A_70 = arith.constant 0 : i32
    %scan3A_71 = arith.constant 16 : i32
    %scan3A_72 = arith.addi %scan3A_70, %scan3A_71 : i32
    %scan3A_73 = arith.constant 1 : i32
    scf.for %scan3A_156 = %scan3A_70 to %scan3A_72 step %scan3A_73  : i32 {
      %mul3A_157 = arith.constant 1 : i32
      %mul3A_158 = arith.muli %scan3A_156, %mul3A_157 : i32
      %add3A_159 = arith.constant 0 : i32
      %add3A_160 = arith.addi %add3A_159, %mul3A_158 : i32
      %mul3A_161 = arith.constant 8192 : i32
      %mul3A_162 = arith.muli %add3A_160, %mul3A_161 : i32
      %add3A_163 = arith.addi %mul3A_3, %mul3A_162 : i32
      %and3A = arith.constant 15 : i32
      %and3A_164 = arith.andi %add3A_160, %and3A : i32
      %ge3A = arith.constant 16 : i32
      %ge3A_165 = arith.cmpi sge, %add3A_160, %ge3A : i32
      %select_n3A = arith.select %ge3A_165, %add3A_45, %sub3A : vector<16xi32>
      %select_n3A_166 = arith.select %ge3A_165, %shift_left3A_34, %shift_left3A_25 : vector<16xi32>
      %eq3A = vector.broadcast %and3A_164 : i32 to vector<16xi32>
      %eq3A_167 = arith.cmpi eq, %iota3A, %eq3A : vector<16xi32>
      %jit3A = arith.constant 0 : i32
      %broadcast_in_dim3A_168 = vector.broadcast %jit3A : i32 to vector<16xi32>
      %select_n3A_169 = arith.select %eq3A_167, %select_n3A, %broadcast_in_dim3A_168 : vector<16xi1>, vector<16xi32>
      %reduce_sum3A_170 = arith.constant true
      %reduce_sum3A_171 = vector.broadcast %reduce_sum3A_170 : i1 to vector<16xi1>
      %reduce_sum3A_172 = tpu.scan <sum>, %select_n3A_169 masked %reduce_sum3A_171 : vector<16xi32>, vector<16xi1> -> vector<16xi32>
      %reduce_sum3A_173 = vector.extract %reduce_sum3A_172[15] : i32 from vector<16xi32>
      %shift_right_arithmetic3A_174 = arith.constant 7 : i32
      %shift_right_arithmetic3A_175 = arith.shrsi %reduce_sum3A_173, %shift_right_arithmetic3A_174 : i32
      %jit3A_176 = arith.constant 0 : i32
      %broadcast_in_dim3A_177 = vector.broadcast %jit3A_176 : i32 to vector<16xi32>
      %select_n3A_178 = arith.select %eq3A_167, %select_n3A_166, %broadcast_in_dim3A_177 : vector<16xi1>, vector<16xi32>
      %reduce_sum3A_179 = arith.constant true
      %reduce_sum3A_180 = vector.broadcast %reduce_sum3A_179 : i1 to vector<16xi1>
      %reduce_sum3A_181 = tpu.scan <sum>, %select_n3A_178 masked %reduce_sum3A_180 : vector<16xi32>, vector<16xi1> -> vector<16xi32>
      %reduce_sum3A_182 = vector.extract %reduce_sum3A_181[15] : i32 from vector<16xi32>
      %shift_right_arithmetic3A_183 = arith.constant 7 : i32
      %shift_right_arithmetic3A_184 = arith.shrsi %reduce_sum3A_182, %shift_right_arithmetic3A_183 : i32
      "tpu.trace_start"() <{level = 10 : i32, message = "seg_streams"}> : () -> ()
      %add3A_185 = arith.constant 1 : i32
      %add3A_186 = arith.addi %shift_right_arithmetic3A_184, %add3A_185 : i32
      %shift_right_arithmetic3A_187 = arith.constant 1 : i32
      %shift_right_arithmetic3A_188 = arith.shrsi %add3A_186, %shift_right_arithmetic3A_187 : i32
      %while3A = arith.constant 0 : i32
      %while3A_189 = arith.constant 0 : i32
      %while3A_190 = arith.subi %shift_right_arithmetic3A_188, %while3A : i32
      %while3A_191 = arith.addi %while3A, %while3A_190 : i32
      %while3A_192 = arith.constant 1 : i32
      %while3A_193 = arith.divsi %while3A_190, %while3A_192 : i32
      %while3A_194 = arith.muli %while3A_193, %while3A_192 : i32
      %while3A_195 = arith.addi %while3A, %while3A_194 : i32
      %while3A_196 = arith.constant 1 : i32
      %while3A_197 = scf.for %while3A_212 = %while3A to %while3A_195 step %while3A_196 iter_args(%while3A_213 = %while3A_189) -> (i32)  : i32 {
        %mul3A_214 = arith.constant 2 : i32
        %mul3A_215 = arith.muli %while3A_212, %mul3A_214 : i32
        %add3A_216 = arith.addi %shift_right_arithmetic3A_175, %mul3A_215 : i32
        %add3A_217 = arith.constant 1 : i32
        %add3A_218 = arith.addi %add3A_216, %add3A_217 : i32
        %mul3A_219 = arith.constant 2 : i32
        %mul3A_220 = arith.muli %while3A_212, %mul3A_219 : i32
        %add3A_221 = arith.constant 1 : i32
        %add3A_222 = arith.addi %mul3A_220, %add3A_221 : i32
        %lt3A = arith.cmpi slt, %add3A_222, %shift_right_arithmetic3A_184 : i32
        %gt3A = arith.constant 0 : i32
        %gt3A_223 = arith.cmpi sgt, %while3A_212, %gt3A : i32
        %convert_element_type3A_224 = arith.extui %gt3A_223 : i1 to i32
        %cond3A_225 = arith.constant 0 : i32
        %cond3A_226 = arith.cmpi ne, %convert_element_type3A_224, %cond3A_225 : i32
        scf.if %cond3A_226 {
          %sub3A_260 = arith.constant 2 : i32
          %sub3A_261 = arith.subi %add3A_216, %sub3A_260 : i32
          %dma_wait3A_262 = arith.constant 0 : i32
          %dma_wait3A_263 = tpu.memref_slice %arg8[%sub3A_261, %dma_wait3A_262] : memref<65x128xi32, #tpu.memory_space<vmem>> -> memref<1x128xi32, #tpu.memory_space<vmem>>
          %dma_wait3A_264 = tpu.memref_squeeze %dma_wait3A_263 : memref<1x128xi32, #tpu.memory_space<vmem>> -> memref<128xi32, #tpu.memory_space<vmem>>
          %dma_wait3A_265 = arith.constant 0 : i32
          %dma_wait3A_266 = arith.constant 0 : i32
          %dma_wait3A_267 = tpu.memref_slice %arg14[%dma_wait3A_265, %dma_wait3A_266] : memref<8448x128xf32, #tpu.memory_space<vmem_shared>> -> memref<8448x128xf32, #tpu.memory_space<vmem_shared>>
          tpu.wait_indirect_dma semaphore(%arg12 : memref<!tpu.dma_semaphore, #tpu.memory_space<semaphore_mem>>) src(%arg9 : memref<128x128xf32, #tpu.memory_space<vmem>>) dst(%dma_wait3A_267 : memref<8448x128xf32, #tpu.memory_space<vmem_shared>>)
        } else {
        }
        %dma_start3A = arith.constant 0 : i32
        %dma_start3A_227 = arith.constant 0 : i32
        %dma_start3A_228 = tpu.memref_slice %arg7[%add3A_216, %dma_start3A_227] : memref<65x128xi32, #tpu.memory_space<vmem>> -> memref<1x128xi32, #tpu.memory_space<vmem>>
        %dma_start3A_229 = tpu.memref_squeeze %dma_start3A_228 : memref<1x128xi32, #tpu.memory_space<vmem>> -> memref<128xi32, #tpu.memory_space<vmem>>
        %dma_start3A_230 = arith.constant 0 : i32
        %dma_start3A_231 = arith.constant 0 : i32
        %dma_start3A_232 = tpu.memref_slice %arg2[%dma_start3A, %dma_start3A_230, %dma_start3A_231] : memref<2x100000x128xf32, #tpu.memory_space<hbm>> -> memref<1x100000x128xf32, #tpu.memory_space<hbm>>
        %dma_start3A_233 = tpu.memref_squeeze %dma_start3A_232 : memref<1x100000x128xf32, #tpu.memory_space<hbm>> -> memref<100000x128xf32, #tpu.memory_space<hbm>>
        %dma_start3A_234 = arith.constant 0 : i32
        %dma_start3A_235 = arith.constant 0 : i32
        %dma_start3A_236 = tpu.memref_slice %dma_start3A_233[%dma_start3A_234, %dma_start3A_235] : memref<100000x128xf32, #tpu.memory_space<hbm>> -> memref<100000x128xf32, #tpu.memory_space<hbm>>
        tpu.enqueue_indirect_dma source(%dma_start3A_236 : memref<100000x128xf32, #tpu.memory_space<hbm>>) target(%arg9 : memref<128x128xf32, #tpu.memory_space<vmem>>) offsets(%dma_start3A_229 : memref<128xi32, #tpu.memory_space<vmem>>) semaphore(%arg13 : memref<!tpu.dma_semaphore, #tpu.memory_space<semaphore_mem>>)
        %convert_element_type3A_237 = arith.extui %lt3A : i1 to i32
        %cond3A_238 = arith.constant 0 : i32
        %cond3A_239 = arith.cmpi ne, %convert_element_type3A_237, %cond3A_238 : i32
        scf.if %cond3A_239 {
          %gt3A_260 = arith.constant 0 : i32
          %gt3A_261 = arith.cmpi sgt, %while3A_212, %gt3A_260 : i32
          %convert_element_type3A_262 = arith.extui %gt3A_261 : i1 to i32
          %cond3A_263 = arith.constant 0 : i32
          %cond3A_264 = arith.cmpi ne, %convert_element_type3A_262, %cond3A_263 : i32
          scf.if %cond3A_264 {
            %sub3A_276 = arith.constant 2 : i32
            %sub3A_277 = arith.subi %add3A_218, %sub3A_276 : i32
            %dma_wait3A_278 = arith.constant 0 : i32
            %dma_wait3A_279 = tpu.memref_slice %arg8[%sub3A_277, %dma_wait3A_278] : memref<65x128xi32, #tpu.memory_space<vmem>> -> memref<1x128xi32, #tpu.memory_space<vmem>>
            %dma_wait3A_280 = tpu.memref_squeeze %dma_wait3A_279 : memref<1x128xi32, #tpu.memory_space<vmem>> -> memref<128xi32, #tpu.memory_space<vmem>>
            %dma_wait3A_281 = arith.constant 0 : i32
            %dma_wait3A_282 = arith.constant 0 : i32
            %dma_wait3A_283 = tpu.memref_slice %arg14[%dma_wait3A_281, %dma_wait3A_282] : memref<8448x128xf32, #tpu.memory_space<vmem_shared>> -> memref<8448x128xf32, #tpu.memory_space<vmem_shared>>
            tpu.wait_indirect_dma semaphore(%arg12 : memref<!tpu.dma_semaphore, #tpu.memory_space<semaphore_mem>>) src(%arg10 : memref<128x128xf32, #tpu.memory_space<vmem>>) dst(%dma_wait3A_283 : memref<8448x128xf32, #tpu.memory_space<vmem_shared>>)
          } else {
          }
          %dma_start3A_265 = arith.constant 0 : i32
          %dma_start3A_266 = arith.constant 0 : i32
          %dma_start3A_267 = tpu.memref_slice %arg7[%add3A_218, %dma_start3A_266] : memref<65x128xi32, #tpu.memory_space<vmem>> -> memref<1x128xi32, #tpu.memory_space<vmem>>
          %dma_start3A_268 = tpu.memref_squeeze %dma_start3A_267 : memref<1x128xi32, #tpu.memory_space<vmem>> -> memref<128xi32, #tpu.memory_space<vmem>>
          %dma_start3A_269 = arith.constant 0 : i32
          %dma_start3A_270 = arith.constant 0 : i32
          %dma_start3A_271 = tpu.memref_slice %arg2[%dma_start3A_265, %dma_start3A_269, %dma_start3A_270] : memref<2x100000x128xf32, #tpu.memory_space<hbm>> -> memref<1x100000x128xf32, #tpu.memory_space<hbm>>
          %dma_start3A_272 = tpu.memref_squeeze %dma_start3A_271 : memref<1x100000x128xf32, #tpu.memory_space<hbm>> -> memref<100000x128xf32, #tpu.memory_space<hbm>>
          %dma_start3A_273 = arith.constant 0 : i32
          %dma_start3A_274 = arith.constant 0 : i32
          %dma_start3A_275 = tpu.memref_slice %dma_start3A_272[%dma_start3A_273, %dma_start3A_274] : memref<100000x128xf32, #tpu.memory_space<hbm>> -> memref<100000x128xf32, #tpu.memory_space<hbm>>
          tpu.enqueue_indirect_dma source(%dma_start3A_275 : memref<100000x128xf32, #tpu.memory_space<hbm>>) target(%arg10 : memref<128x128xf32, #tpu.memory_space<vmem>>) offsets(%dma_start3A_268 : memref<128xi32, #tpu.memory_space<vmem>>) semaphore(%arg13 : memref<!tpu.dma_semaphore, #tpu.memory_space<semaphore_mem>>)
        } else {
        }
        %dma_wait3A = arith.constant 0 : i32
        %dma_wait3A_240 = arith.constant 0 : i32
        %dma_wait3A_241 = tpu.memref_slice %arg7[%add3A_216, %dma_wait3A_240] : memref<65x128xi32, #tpu.memory_space<vmem>> -> memref<1x128xi32, #tpu.memory_space<vmem>>
        %dma_wait3A_242 = tpu.memref_squeeze %dma_wait3A_241 : memref<1x128xi32, #tpu.memory_space<vmem>> -> memref<128xi32, #tpu.memory_space<vmem>>
        %dma_wait3A_243 = arith.constant 0 : i32
        %dma_wait3A_244 = arith.constant 0 : i32
        %dma_wait3A_245 = tpu.memref_slice %arg2[%dma_wait3A, %dma_wait3A_243, %dma_wait3A_244] : memref<2x100000x128xf32, #tpu.memory_space<hbm>> -> memref<1x100000x128xf32, #tpu.memory_space<hbm>>
        %dma_wait3A_246 = tpu.memref_squeeze %dma_wait3A_245 : memref<1x100000x128xf32, #tpu.memory_space<hbm>> -> memref<100000x128xf32, #tpu.memory_space<hbm>>
        %dma_wait3A_247 = arith.constant 0 : i32
        %dma_wait3A_248 = arith.constant 0 : i32
        %dma_wait3A_249 = tpu.memref_slice %dma_wait3A_246[%dma_wait3A_247, %dma_wait3A_248] : memref<100000x128xf32, #tpu.memory_space<hbm>> -> memref<100000x128xf32, #tpu.memory_space<hbm>>
        tpu.wait_indirect_dma semaphore(%arg13 : memref<!tpu.dma_semaphore, #tpu.memory_space<semaphore_mem>>) src(%dma_wait3A_249 : memref<100000x128xf32, #tpu.memory_space<hbm>>) dst(%arg9 : memref<128x128xf32, #tpu.memory_space<vmem>>)
        %dma_start3A_250 = arith.constant 0 : i32
        %dma_start3A_251 = tpu.memref_slice %arg8[%add3A_216, %dma_start3A_250] : memref<65x128xi32, #tpu.memory_space<vmem>> -> memref<1x128xi32, #tpu.memory_space<vmem>>
        %dma_start3A_252 = tpu.memref_squeeze %dma_start3A_251 : memref<1x128xi32, #tpu.memory_space<vmem>> -> memref<128xi32, #tpu.memory_space<vmem>>
        %dma_start3A_253 = arith.constant 0 : i32
        %dma_start3A_254 = arith.constant 0 : i32
        %dma_start3A_255 = tpu.memref_slice %arg14[%dma_start3A_253, %dma_start3A_254] : memref<8448x128xf32, #tpu.memory_space<vmem_shared>> -> memref<8448x128xf32, #tpu.memory_space<vmem_shared>>
        tpu.enqueue_indirect_dma source(%arg9 : memref<128x128xf32, #tpu.memory_space<vmem>>) target(%dma_start3A_255 : memref<8448x128xf32, #tpu.memory_space<vmem_shared>>) offsets(%dma_start3A_252 : memref<128xi32, #tpu.memory_space<vmem>>) semaphore(%arg12 : memref<!tpu.dma_semaphore, #tpu.memory_space<semaphore_mem>>) {add = true}
        %convert_element_type3A_256 = arith.extui %lt3A : i1 to i32
        %cond3A_257 = arith.constant 0 : i32
        %cond3A_258 = arith.cmpi ne, %convert_element_type3A_256, %cond3A_257 : i32
        scf.if %cond3A_258 {
          %dma_wait3A_260 = arith.constant 0 : i32
          %dma_wait3A_261 = arith.constant 0 : i32
          %dma_wait3A_262 = tpu.memref_slice %arg7[%add3A_218, %dma_wait3A_261] : memref<65x128xi32, #tpu.memory_space<vmem>> -> memref<1x128xi32, #tpu.memory_space<vmem>>
          %dma_wait3A_263 = tpu.memref_squeeze %dma_wait3A_262 : memref<1x128xi32, #tpu.memory_space<vmem>> -> memref<128xi32, #tpu.memory_space<vmem>>
          %dma_wait3A_264 = arith.constant 0 : i32
          %dma_wait3A_265 = arith.constant 0 : i32
          %dma_wait3A_266 = tpu.memref_slice %arg2[%dma_wait3A_260, %dma_wait3A_264, %dma_wait3A_265] : memref<2x100000x128xf32, #tpu.memory_space<hbm>> -> memref<1x100000x128xf32, #tpu.memory_space<hbm>>
          %dma_wait3A_267 = tpu.memref_squeeze %dma_wait3A_266 : memref<1x100000x128xf32, #tpu.memory_space<hbm>> -> memref<100000x128xf32, #tpu.memory_space<hbm>>
          %dma_wait3A_268 = arith.constant 0 : i32
          %dma_wait3A_269 = arith.constant 0 : i32
          %dma_wait3A_270 = tpu.memref_slice %dma_wait3A_267[%dma_wait3A_268, %dma_wait3A_269] : memref<100000x128xf32, #tpu.memory_space<hbm>> -> memref<100000x128xf32, #tpu.memory_space<hbm>>
          tpu.wait_indirect_dma semaphore(%arg13 : memref<!tpu.dma_semaphore, #tpu.memory_space<semaphore_mem>>) src(%dma_wait3A_270 : memref<100000x128xf32, #tpu.memory_space<hbm>>) dst(%arg10 : memref<128x128xf32, #tpu.memory_space<vmem>>)
          %dma_start3A_271 = arith.constant 0 : i32
          %dma_start3A_272 = tpu.memref_slice %arg8[%add3A_218, %dma_start3A_271] : memref<65x128xi32, #tpu.memory_space<vmem>> -> memref<1x128xi32, #tpu.memory_space<vmem>>
          %dma_start3A_273 = tpu.memref_squeeze %dma_start3A_272 : memref<1x128xi32, #tpu.memory_space<vmem>> -> memref<128xi32, #tpu.memory_space<vmem>>
          %dma_start3A_274 = arith.constant 0 : i32
          %dma_start3A_275 = arith.constant 0 : i32
          %dma_start3A_276 = tpu.memref_slice %arg14[%dma_start3A_274, %dma_start3A_275] : memref<8448x128xf32, #tpu.memory_space<vmem_shared>> -> memref<8448x128xf32, #tpu.memory_space<vmem_shared>>
          tpu.enqueue_indirect_dma source(%arg10 : memref<128x128xf32, #tpu.memory_space<vmem>>) target(%dma_start3A_276 : memref<8448x128xf32, #tpu.memory_space<vmem_shared>>) offsets(%dma_start3A_273 : memref<128xi32, #tpu.memory_space<vmem>>) semaphore(%arg12 : memref<!tpu.dma_semaphore, #tpu.memory_space<semaphore_mem>>) {add = true}
        } else {
        }
        %while3A_259 = arith.constant 0 : i32
        scf.yield %while3A_259 : i32
      }
      %while3A_198 = arith.constant 1 : i32
      %while3A_199 = scf.for %while3A_212 = %while3A_195 to %while3A_191 step %while3A_198 iter_args(%while3A_213 = %while3A_197) -> (i32)  : i32 {
        %mul3A_214 = arith.constant 2 : i32
        %mul3A_215 = arith.muli %while3A_212, %mul3A_214 : i32
        %add3A_216 = arith.addi %shift_right_arithmetic3A_175, %mul3A_215 : i32
        %add3A_217 = arith.constant 1 : i32
        %add3A_218 = arith.addi %add3A_216, %add3A_217 : i32
        %mul3A_219 = arith.constant 2 : i32
        %mul3A_220 = arith.muli %while3A_212, %mul3A_219 : i32
        %add3A_221 = arith.constant 1 : i32
        %add3A_222 = arith.addi %mul3A_220, %add3A_221 : i32
        %lt3A = arith.cmpi slt, %add3A_222, %shift_right_arithmetic3A_184 : i32
        %gt3A = arith.constant 0 : i32
        %gt3A_223 = arith.cmpi sgt, %while3A_212, %gt3A : i32
        %convert_element_type3A_224 = arith.extui %gt3A_223 : i1 to i32
        %cond3A_225 = arith.constant 0 : i32
        %cond3A_226 = arith.cmpi ne, %convert_element_type3A_224, %cond3A_225 : i32
        scf.if %cond3A_226 {
          %sub3A_260 = arith.constant 2 : i32
          %sub3A_261 = arith.subi %add3A_216, %sub3A_260 : i32
          %dma_wait3A_262 = arith.constant 0 : i32
          %dma_wait3A_263 = tpu.memref_slice %arg8[%sub3A_261, %dma_wait3A_262] : memref<65x128xi32, #tpu.memory_space<vmem>> -> memref<1x128xi32, #tpu.memory_space<vmem>>
          %dma_wait3A_264 = tpu.memref_squeeze %dma_wait3A_263 : memref<1x128xi32, #tpu.memory_space<vmem>> -> memref<128xi32, #tpu.memory_space<vmem>>
          %dma_wait3A_265 = arith.constant 0 : i32
          %dma_wait3A_266 = arith.constant 0 : i32
          %dma_wait3A_267 = tpu.memref_slice %arg14[%dma_wait3A_265, %dma_wait3A_266] : memref<8448x128xf32, #tpu.memory_space<vmem_shared>> -> memref<8448x128xf32, #tpu.memory_space<vmem_shared>>
          tpu.wait_indirect_dma semaphore(%arg12 : memref<!tpu.dma_semaphore, #tpu.memory_space<semaphore_mem>>) src(%arg9 : memref<128x128xf32, #tpu.memory_space<vmem>>) dst(%dma_wait3A_267 : memref<8448x128xf32, #tpu.memory_space<vmem_shared>>)
        } else {
        }
        %dma_start3A = arith.constant 0 : i32
        %dma_start3A_227 = arith.constant 0 : i32
        %dma_start3A_228 = tpu.memref_slice %arg7[%add3A_216, %dma_start3A_227] : memref<65x128xi32, #tpu.memory_space<vmem>> -> memref<1x128xi32, #tpu.memory_space<vmem>>
        %dma_start3A_229 = tpu.memref_squeeze %dma_start3A_228 : memref<1x128xi32, #tpu.memory_space<vmem>> -> memref<128xi32, #tpu.memory_space<vmem>>
        %dma_start3A_230 = arith.constant 0 : i32
        %dma_start3A_231 = arith.constant 0 : i32
        %dma_start3A_232 = tpu.memref_slice %arg2[%dma_start3A, %dma_start3A_230, %dma_start3A_231] : memref<2x100000x128xf32, #tpu.memory_space<hbm>> -> memref<1x100000x128xf32, #tpu.memory_space<hbm>>
        %dma_start3A_233 = tpu.memref_squeeze %dma_start3A_232 : memref<1x100000x128xf32, #tpu.memory_space<hbm>> -> memref<100000x128xf32, #tpu.memory_space<hbm>>
        %dma_start3A_234 = arith.constant 0 : i32
        %dma_start3A_235 = arith.constant 0 : i32
        %dma_start3A_236 = tpu.memref_slice %dma_start3A_233[%dma_start3A_234, %dma_start3A_235] : memref<100000x128xf32, #tpu.memory_space<hbm>> -> memref<100000x128xf32, #tpu.memory_space<hbm>>
        tpu.enqueue_indirect_dma source(%dma_start3A_236 : memref<100000x128xf32, #tpu.memory_space<hbm>>) target(%arg9 : memref<128x128xf32, #tpu.memory_space<vmem>>) offsets(%dma_start3A_229 : memref<128xi32, #tpu.memory_space<vmem>>) semaphore(%arg13 : memref<!tpu.dma_semaphore, #tpu.memory_space<semaphore_mem>>)
        %convert_element_type3A_237 = arith.extui %lt3A : i1 to i32
        %cond3A_238 = arith.constant 0 : i32
        %cond3A_239 = arith.cmpi ne, %convert_element_type3A_237, %cond3A_238 : i32
        scf.if %cond3A_239 {
          %gt3A_260 = arith.constant 0 : i32
          %gt3A_261 = arith.cmpi sgt, %while3A_212, %gt3A_260 : i32
          %convert_element_type3A_262 = arith.extui %gt3A_261 : i1 to i32
          %cond3A_263 = arith.constant 0 : i32
          %cond3A_264 = arith.cmpi ne, %convert_element_type3A_262, %cond3A_263 : i32
          scf.if %cond3A_264 {
            %sub3A_276 = arith.constant 2 : i32
            %sub3A_277 = arith.subi %add3A_218, %sub3A_276 : i32
            %dma_wait3A_278 = arith.constant 0 : i32
            %dma_wait3A_279 = tpu.memref_slice %arg8[%sub3A_277, %dma_wait3A_278] : memref<65x128xi32, #tpu.memory_space<vmem>> -> memref<1x128xi32, #tpu.memory_space<vmem>>
            %dma_wait3A_280 = tpu.memref_squeeze %dma_wait3A_279 : memref<1x128xi32, #tpu.memory_space<vmem>> -> memref<128xi32, #tpu.memory_space<vmem>>
            %dma_wait3A_281 = arith.constant 0 : i32
            %dma_wait3A_282 = arith.constant 0 : i32
            %dma_wait3A_283 = tpu.memref_slice %arg14[%dma_wait3A_281, %dma_wait3A_282] : memref<8448x128xf32, #tpu.memory_space<vmem_shared>> -> memref<8448x128xf32, #tpu.memory_space<vmem_shared>>
            tpu.wait_indirect_dma semaphore(%arg12 : memref<!tpu.dma_semaphore, #tpu.memory_space<semaphore_mem>>) src(%arg10 : memref<128x128xf32, #tpu.memory_space<vmem>>) dst(%dma_wait3A_283 : memref<8448x128xf32, #tpu.memory_space<vmem_shared>>)
          } else {
          }
          %dma_start3A_265 = arith.constant 0 : i32
          %dma_start3A_266 = arith.constant 0 : i32
          %dma_start3A_267 = tpu.memref_slice %arg7[%add3A_218, %dma_start3A_266] : memref<65x128xi32, #tpu.memory_space<vmem>> -> memref<1x128xi32, #tpu.memory_space<vmem>>
          %dma_start3A_268 = tpu.memref_squeeze %dma_start3A_267 : memref<1x128xi32, #tpu.memory_space<vmem>> -> memref<128xi32, #tpu.memory_space<vmem>>
          %dma_start3A_269 = arith.constant 0 : i32
          %dma_start3A_270 = arith.constant 0 : i32
          %dma_start3A_271 = tpu.memref_slice %arg2[%dma_start3A_265, %dma_start3A_269, %dma_start3A_270] : memref<2x100000x128xf32, #tpu.memory_space<hbm>> -> memref<1x100000x128xf32, #tpu.memory_space<hbm>>
          %dma_start3A_272 = tpu.memref_squeeze %dma_start3A_271 : memref<1x100000x128xf32, #tpu.memory_space<hbm>> -> memref<100000x128xf32, #tpu.memory_space<hbm>>
          %dma_start3A_273 = arith.constant 0 : i32
          %dma_start3A_274 = arith.constant 0 : i32
          %dma_start3A_275 = tpu.memref_slice %dma_start3A_272[%dma_start3A_273, %dma_start3A_274] : memref<100000x128xf32, #tpu.memory_space<hbm>> -> memref<100000x128xf32, #tpu.memory_space<hbm>>
          tpu.enqueue_indirect_dma source(%dma_start3A_275 : memref<100000x128xf32, #tpu.memory_space<hbm>>) target(%arg10 : memref<128x128xf32, #tpu.memory_space<vmem>>) offsets(%dma_start3A_268 : memref<128xi32, #tpu.memory_space<vmem>>) semaphore(%arg13 : memref<!tpu.dma_semaphore, #tpu.memory_space<semaphore_mem>>)
        } else {
        }
        %dma_wait3A = arith.constant 0 : i32
        %dma_wait3A_240 = arith.constant 0 : i32
        %dma_wait3A_241 = tpu.memref_slice %arg7[%add3A_216, %dma_wait3A_240] : memref<65x128xi32, #tpu.memory_space<vmem>> -> memref<1x128xi32, #tpu.memory_space<vmem>>
        %dma_wait3A_242 = tpu.memref_squeeze %dma_wait3A_241 : memref<1x128xi32, #tpu.memory_space<vmem>> -> memref<128xi32, #tpu.memory_space<vmem>>
        %dma_wait3A_243 = arith.constant 0 : i32
        %dma_wait3A_244 = arith.constant 0 : i32
        %dma_wait3A_245 = tpu.memref_slice %arg2[%dma_wait3A, %dma_wait3A_243, %dma_wait3A_244] : memref<2x100000x128xf32, #tpu.memory_space<hbm>> -> memref<1x100000x128xf32, #tpu.memory_space<hbm>>
        %dma_wait3A_246 = tpu.memref_squeeze %dma_wait3A_245 : memref<1x100000x128xf32, #tpu.memory_space<hbm>> -> memref<100000x128xf32, #tpu.memory_space<hbm>>
        %dma_wait3A_247 = arith.constant 0 : i32
        %dma_wait3A_248 = arith.constant 0 : i32
        %dma_wait3A_249 = tpu.memref_slice %dma_wait3A_246[%dma_wait3A_247, %dma_wait3A_248] : memref<100000x128xf32, #tpu.memory_space<hbm>> -> memref<100000x128xf32, #tpu.memory_space<hbm>>
        tpu.wait_indirect_dma semaphore(%arg13 : memref<!tpu.dma_semaphore, #tpu.memory_space<semaphore_mem>>) src(%dma_wait3A_249 : memref<100000x128xf32, #tpu.memory_space<hbm>>) dst(%arg9 : memref<128x128xf32, #tpu.memory_space<vmem>>)
        %dma_start3A_250 = arith.constant 0 : i32
        %dma_start3A_251 = tpu.memref_slice %arg8[%add3A_216, %dma_start3A_250] : memref<65x128xi32, #tpu.memory_space<vmem>> -> memref<1x128xi32, #tpu.memory_space<vmem>>
        %dma_start3A_252 = tpu.memref_squeeze %dma_start3A_251 : memref<1x128xi32, #tpu.memory_space<vmem>> -> memref<128xi32, #tpu.memory_space<vmem>>
        %dma_start3A_253 = arith.constant 0 : i32
        %dma_start3A_254 = arith.constant 0 : i32
        %dma_start3A_255 = tpu.memref_slice %arg14[%dma_start3A_253, %dma_start3A_254] : memref<8448x128xf32, #tpu.memory_space<vmem_shared>> -> memref<8448x128xf32, #tpu.memory_space<vmem_shared>>
        tpu.enqueue_indirect_dma source(%arg9 : memref<128x128xf32, #tpu.memory_space<vmem>>) target(%dma_start3A_255 : memref<8448x128xf32, #tpu.memory_space<vmem_shared>>) offsets(%dma_start3A_252 : memref<128xi32, #tpu.memory_space<vmem>>) semaphore(%arg12 : memref<!tpu.dma_semaphore, #tpu.memory_space<semaphore_mem>>) {add = true}
        %convert_element_type3A_256 = arith.extui %lt3A : i1 to i32
        %cond3A_257 = arith.constant 0 : i32
        %cond3A_258 = arith.cmpi ne, %convert_element_type3A_256, %cond3A_257 : i32
        scf.if %cond3A_258 {
          %dma_wait3A_260 = arith.constant 0 : i32
          %dma_wait3A_261 = arith.constant 0 : i32
          %dma_wait3A_262 = tpu.memref_slice %arg7[%add3A_218, %dma_wait3A_261] : memref<65x128xi32, #tpu.memory_space<vmem>> -> memref<1x128xi32, #tpu.memory_space<vmem>>
          %dma_wait3A_263 = tpu.memref_squeeze %dma_wait3A_262 : memref<1x128xi32, #tpu.memory_space<vmem>> -> memref<128xi32, #tpu.memory_space<vmem>>
          %dma_wait3A_264 = arith.constant 0 : i32
          %dma_wait3A_265 = arith.constant 0 : i32
          %dma_wait3A_266 = tpu.memref_slice %arg2[%dma_wait3A_260, %dma_wait3A_264, %dma_wait3A_265] : memref<2x100000x128xf32, #tpu.memory_space<hbm>> -> memref<1x100000x128xf32, #tpu.memory_space<hbm>>
          %dma_wait3A_267 = tpu.memref_squeeze %dma_wait3A_266 : memref<1x100000x128xf32, #tpu.memory_space<hbm>> -> memref<100000x128xf32, #tpu.memory_space<hbm>>
          %dma_wait3A_268 = arith.constant 0 : i32
          %dma_wait3A_269 = arith.constant 0 : i32
          %dma_wait3A_270 = tpu.memref_slice %dma_wait3A_267[%dma_wait3A_268, %dma_wait3A_269] : memref<100000x128xf32, #tpu.memory_space<hbm>> -> memref<100000x128xf32, #tpu.memory_space<hbm>>
          tpu.wait_indirect_dma semaphore(%arg13 : memref<!tpu.dma_semaphore, #tpu.memory_space<semaphore_mem>>) src(%dma_wait3A_270 : memref<100000x128xf32, #tpu.memory_space<hbm>>) dst(%arg10 : memref<128x128xf32, #tpu.memory_space<vmem>>)
          %dma_start3A_271 = arith.constant 0 : i32
          %dma_start3A_272 = tpu.memref_slice %arg8[%add3A_218, %dma_start3A_271] : memref<65x128xi32, #tpu.memory_space<vmem>> -> memref<1x128xi32, #tpu.memory_space<vmem>>
          %dma_start3A_273 = tpu.memref_squeeze %dma_start3A_272 : memref<1x128xi32, #tpu.memory_space<vmem>> -> memref<128xi32, #tpu.memory_space<vmem>>
          %dma_start3A_274 = arith.constant 0 : i32
          %dma_start3A_275 = arith.constant 0 : i32
          %dma_start3A_276 = tpu.memref_slice %arg14[%dma_start3A_274, %dma_start3A_275] : memref<8448x128xf32, #tpu.memory_space<vmem_shared>> -> memref<8448x128xf32, #tpu.memory_space<vmem_shared>>
          tpu.enqueue_indirect_dma source(%arg10 : memref<128x128xf32, #tpu.memory_space<vmem>>) target(%dma_start3A_276 : memref<8448x128xf32, #tpu.memory_space<vmem_shared>>) offsets(%dma_start3A_273 : memref<128xi32, #tpu.memory_space<vmem>>) semaphore(%arg12 : memref<!tpu.dma_semaphore, #tpu.memory_space<semaphore_mem>>) {add = true}
        } else {
        }
        %while3A_259 = arith.constant 0 : i32
        scf.yield %while3A_259 : i32
      }
      %ge3A_200 = arith.constant 1 : i32
      %ge3A_201 = arith.cmpi sge, %shift_right_arithmetic3A_184, %ge3A_200 : i32
      %convert_element_type3A = arith.extui %ge3A_201 : i1 to i32
      %cond3A = arith.constant 0 : i32
      %cond3A_202 = arith.cmpi ne, %convert_element_type3A, %cond3A : i32
      scf.if %cond3A_202 {
        %dma_wait3A = arith.constant 0 : i32
        %dma_wait3A_212 = tpu.memref_slice %arg8[%shift_right_arithmetic3A_175, %dma_wait3A] : memref<65x128xi32, #tpu.memory_space<vmem>> -> memref<1x128xi32, #tpu.memory_space<vmem>>
        %dma_wait3A_213 = tpu.memref_squeeze %dma_wait3A_212 : memref<1x128xi32, #tpu.memory_space<vmem>> -> memref<128xi32, #tpu.memory_space<vmem>>
        %dma_wait3A_214 = arith.constant 0 : i32
        %dma_wait3A_215 = arith.constant 0 : i32
        %dma_wait3A_216 = tpu.memref_slice %arg14[%dma_wait3A_214, %dma_wait3A_215] : memref<8448x128xf32, #tpu.memory_space<vmem_shared>> -> memref<8448x128xf32, #tpu.memory_space<vmem_shared>>
        tpu.wait_indirect_dma semaphore(%arg12 : memref<!tpu.dma_semaphore, #tpu.memory_space<semaphore_mem>>) src(%arg9 : memref<128x128xf32, #tpu.memory_space<vmem>>) dst(%dma_wait3A_216 : memref<8448x128xf32, #tpu.memory_space<vmem_shared>>)
      } else {
      }
      %ge3A_203 = arith.constant 2 : i32
      %ge3A_204 = arith.cmpi sge, %shift_right_arithmetic3A_184, %ge3A_203 : i32
      %convert_element_type3A_205 = arith.extui %ge3A_204 : i1 to i32
      %cond3A_206 = arith.constant 0 : i32
      %cond3A_207 = arith.cmpi ne, %convert_element_type3A_205, %cond3A_206 : i32
      scf.if %cond3A_207 {
        %dma_wait3A = arith.constant 0 : i32
        %dma_wait3A_212 = tpu.memref_slice %arg8[%shift_right_arithmetic3A_175, %dma_wait3A] : memref<65x128xi32, #tpu.memory_space<vmem>> -> memref<1x128xi32, #tpu.memory_space<vmem>>
        %dma_wait3A_213 = tpu.memref_squeeze %dma_wait3A_212 : memref<1x128xi32, #tpu.memory_space<vmem>> -> memref<128xi32, #tpu.memory_space<vmem>>
        %dma_wait3A_214 = arith.constant 0 : i32
        %dma_wait3A_215 = arith.constant 0 : i32
        %dma_wait3A_216 = tpu.memref_slice %arg14[%dma_wait3A_214, %dma_wait3A_215] : memref<8448x128xf32, #tpu.memory_space<vmem_shared>> -> memref<8448x128xf32, #tpu.memory_space<vmem_shared>>
        tpu.wait_indirect_dma semaphore(%arg12 : memref<!tpu.dma_semaphore, #tpu.memory_space<semaphore_mem>>) src(%arg10 : memref<128x128xf32, #tpu.memory_space<vmem>>) dst(%dma_wait3A_216 : memref<8448x128xf32, #tpu.memory_space<vmem_shared>>)
      } else {
      }
      "tpu.trace_stop"() : () -> ()
      "tpu.trace_start"() <{level = 10 : i32, message = "bar1"}> : () -> ()
      %barrier3A_208 = arith.constant 0 : index
      tpu.barrier barrier_id(%barrier3A_208)
      "tpu.trace_stop"() : () -> ()
      "tpu.trace_start"() <{level = 10 : i32, message = "copyout"}> : () -> ()
      %add3A_209 = arith.addi %add3A_163, %mul3A_0 : i32
      %run_scoped3A_210 = arith.constant 0 : i32
      "tpu.region"() ({
        %run_scoped3A_212 = tpu.sem_alloc : memref<!tpu.dma_semaphore, #tpu.memory_space<semaphore_mem>>
        %dma_start3A = arith.constant 0 : i32
        %dma_start3A_213 = arith.constant 0 : i32
        %dma_start3A_214 = tpu.memref_slice %arg5[%run_scoped3A_210, %dma_start3A, %dma_start3A_213] : memref<2x262144x128xf32, #tpu.memory_space<hbm>> -> memref<1x262144x128xf32, #tpu.memory_space<hbm>>
        %dma_start3A_215 = tpu.memref_squeeze %dma_start3A_214 : memref<1x262144x128xf32, #tpu.memory_space<hbm>> -> memref<262144x128xf32, #tpu.memory_space<hbm>>
        %dma_start3A_216 = arith.constant 0 : i32
        %dma_start3A_217 = tpu.memref_slice %dma_start3A_215[%add3A_209, %dma_start3A_216] : memref<262144x128xf32, #tpu.memory_space<hbm>> -> memref<512x128xf32, #tpu.memory_space<hbm>>
        %dma_start3A_218 = arith.constant 0 : i32
        %dma_start3A_219 = tpu.memref_slice %arg14[%mul3A_0, %dma_start3A_218] : memref<8448x128xf32, #tpu.memory_space<vmem_shared>> -> memref<512x128xf32, #tpu.memory_space<vmem_shared>>
        tpu.enqueue_dma source(%dma_start3A_219 : memref<512x128xf32, #tpu.memory_space<vmem_shared>>) target(%dma_start3A_217 : memref<512x128xf32, #tpu.memory_space<hbm>>) target_semaphore(%run_scoped3A_212 : memref<!tpu.dma_semaphore, #tpu.memory_space<semaphore_mem>>)
        %dma_wait3A = arith.constant 0 : i32
        %dma_wait3A_220 = arith.constant 0 : i32
        %dma_wait3A_221 = tpu.memref_slice %arg5[%run_scoped3A_210, %dma_wait3A, %dma_wait3A_220] : memref<2x262144x128xf32, #tpu.memory_space<hbm>> -> memref<1x262144x128xf32, #tpu.memory_space<hbm>>
        %dma_wait3A_222 = tpu.memref_squeeze %dma_wait3A_221 : memref<1x262144x128xf32, #tpu.memory_space<hbm>> -> memref<262144x128xf32, #tpu.memory_space<hbm>>
        %dma_wait3A_223 = arith.constant 0 : i32
        %dma_wait3A_224 = tpu.memref_slice %dma_wait3A_222[%add3A_209, %dma_wait3A_223] : memref<262144x128xf32, #tpu.memory_space<hbm>> -> memref<512x128xf32, #tpu.memory_space<hbm>>
        %dma_wait3A_225 = arith.constant 0 : i32
        %dma_wait3A_226 = tpu.memref_slice %arg14[%mul3A_0, %dma_wait3A_225] : memref<8448x128xf32, #tpu.memory_space<vmem_shared>> -> memref<512x128xf32, #tpu.memory_space<vmem_shared>>
        tpu.wait_dma2 semaphore(%run_scoped3A_212 : memref<!tpu.dma_semaphore, #tpu.memory_space<semaphore_mem>>) src(%dma_wait3A_226 : memref<512x128xf32, #tpu.memory_space<vmem_shared>>) dst(%dma_wait3A_224 : memref<512x128xf32, #tpu.memory_space<hbm>>)
        tpu.yield
      }) : () -> ()
      "tpu.trace_stop"() : () -> ()
      "tpu.trace_start"() <{level = 10 : i32, message = "zero"}> : () -> ()
      "tpu.region"() ({
        %run_scoped3A_212 = tpu.sem_alloc : memref<!tpu.dma_semaphore, #tpu.memory_space<semaphore_mem>>
        %dma_start3A = arith.constant 0 : i32
        %dma_start3A_213 = tpu.memref_slice %arg14[%mul3A_0, %dma_start3A] : memref<8448x128xf32, #tpu.memory_space<vmem_shared>> -> memref<512x128xf32, #tpu.memory_space<vmem_shared>>
        tpu.enqueue_dma source(%arg4 : memref<512x128xf32, #tpu.memory_space<hbm>>) target(%dma_start3A_213 : memref<512x128xf32, #tpu.memory_space<vmem_shared>>) target_semaphore(%run_scoped3A_212 : memref<!tpu.dma_semaphore, #tpu.memory_space<semaphore_mem>>)
        %dma_wait3A = arith.constant 0 : i32
        %dma_wait3A_214 = tpu.memref_slice %arg14[%mul3A_0, %dma_wait3A] : memref<8448x128xf32, #tpu.memory_space<vmem_shared>> -> memref<512x128xf32, #tpu.memory_space<vmem_shared>>
        tpu.wait_dma2 semaphore(%run_scoped3A_212 : memref<!tpu.dma_semaphore, #tpu.memory_space<semaphore_mem>>) src(%arg4 : memref<512x128xf32, #tpu.memory_space<hbm>>) dst(%dma_wait3A_214 : memref<512x128xf32, #tpu.memory_space<vmem_shared>>)
        tpu.yield
      }) : () -> ()
      "tpu.trace_stop"() : () -> ()
      "tpu.trace_start"() <{level = 10 : i32, message = "bar2"}> : () -> ()
      %barrier3A_211 = arith.constant 0 : index
      tpu.barrier barrier_id(%barrier3A_211)
      "tpu.trace_stop"() : () -> ()
    }
    %scan3A_74 = arith.constant 16 : i32
    "tpu.trace_stop"() : () -> ()
    %mul3A_75 = arith.constant 6272 : i32
    %mul3A_76 = arith.muli %arg1, %mul3A_75 : i32
    %run_scoped3A_77 = arith.constant 1 : i32
    "tpu.region"() ({
      %run_scoped3A_156 = tpu.sem_alloc : memref<!tpu.dma_semaphore, #tpu.memory_space<semaphore_mem>>
      %dma_start3A = tpu.memref_slice %arg3[%run_scoped3A_77, %mul3A_76] : memref<2x100352xi32, #tpu.memory_space<hbm>> -> memref<1x6272xi32, #tpu.memory_space<hbm>>
      %dma_start3A_157 = tpu.memref_squeeze %dma_start3A : memref<1x6272xi32, #tpu.memory_space<hbm>> -> memref<6272xi32, #tpu.memory_space<hbm>>
      %dma_start3A_158 = tpu.memref_slice %arg3[%run_scoped3A_77, %mul3A_76] : memref<2x100352xi32, #tpu.memory_space<hbm>> -> memref<1x6272xi32, #tpu.memory_space<hbm>>
      %dma_start3A_159 = tpu.memref_squeeze %dma_start3A_158 : memref<1x6272xi32, #tpu.memory_space<hbm>> -> memref<6272xi32, #tpu.memory_space<hbm>>
      tpu.enqueue_dma source(%dma_start3A_159 : memref<6272xi32, #tpu.memory_space<hbm>>) target(%arg6 : memref<6272xi32, #tpu.memory_space<vmem>>) target_semaphore(%run_scoped3A_156 : memref<!tpu.dma_semaphore, #tpu.memory_space<semaphore_mem>>)
      %dma_wait3A = tpu.memref_slice %arg3[%run_scoped3A_77, %mul3A_76] : memref<2x100352xi32, #tpu.memory_space<hbm>> -> memref<1x6272xi32, #tpu.memory_space<hbm>>
      %dma_wait3A_160 = tpu.memref_squeeze %dma_wait3A : memref<1x6272xi32, #tpu.memory_space<hbm>> -> memref<6272xi32, #tpu.memory_space<hbm>>
      %dma_wait3A_161 = tpu.memref_slice %arg3[%run_scoped3A_77, %mul3A_76] : memref<2x100352xi32, #tpu.memory_space<hbm>> -> memref<1x6272xi32, #tpu.memory_space<hbm>>
      %dma_wait3A_162 = tpu.memref_squeeze %dma_wait3A_161 : memref<1x6272xi32, #tpu.memory_space<hbm>> -> memref<6272xi32, #tpu.memory_space<hbm>>
      tpu.wait_dma2 semaphore(%run_scoped3A_156 : memref<!tpu.dma_semaphore, #tpu.memory_space<semaphore_mem>>) src(%dma_wait3A_162 : memref<6272xi32, #tpu.memory_space<hbm>>) dst(%arg6 : memref<6272xi32, #tpu.memory_space<vmem>>)
      tpu.yield
    }) : () -> ()
    "tpu.trace_start"() <{level = 10 : i32, message = "bin_hist"}> : () -> ()
    %swap3A_78 = arith.constant 0 : index
    %swap3A_79 = tpu.vector_load %arg11[%swap3A_78] {strides = array<i32>} : memref<48xi32, #tpu.memory_space<vmem>>, vector<16xi32>,
    tpu.vector_store %arg11[%swap3A_78], %broadcast_in_dim3A_1 {strides = array<i32>} : memref<48xi32, #tpu.memory_space<vmem>>, vector<16xi32>,
    %swap3A_80 = arith.constant 16 : index
    %swap3A_81 = tpu.vector_load %arg11[%swap3A_80] {strides = array<i32>} : memref<48xi32, #tpu.memory_space<vmem>>, vector<16xi32>,
    tpu.vector_store %arg11[%swap3A_80], %broadcast_in_dim3A_1 {strides = array<i32>} : memref<48xi32, #tpu.memory_space<vmem>>, vector<16xi32>,
    %swap3A_82 = arith.constant 32 : index
    %swap3A_83 = tpu.vector_load %arg11[%swap3A_82] {strides = array<i32>} : memref<48xi32, #tpu.memory_space<vmem>>, vector<16xi32>,
    tpu.vector_store %arg11[%swap3A_82], %broadcast_in_dim3A_1 {strides = array<i32>} : memref<48xi32, #tpu.memory_space<vmem>>, vector<16xi32>,
    %scan3A_84 = arith.constant 0 : i32
    %scan3A_85 = arith.constant 0 : i32
    %scan3A_86 = arith.constant 392 : i32
    %scan3A_87 = arith.addi %scan3A_85, %scan3A_86 : i32
    %scan3A_88 = arith.constant 1 : i32
    %scan3A_89 = scf.for %scan3A_156 = %scan3A_85 to %scan3A_87 step %scan3A_88 iter_args(%scan3A_157 = %scan3A_84) -> (i32)  : i32 {
      %mul3A_158 = arith.constant 16 : i32
      %mul3A_159 = arith.muli %scan3A_156, %mul3A_158 : i32
      %get3A_160 = arith.index_cast %mul3A_159 : i32 to index
      %get3A_161 = tpu.vector_load %arg6[%get3A_160] {strides = array<i32>} : memref<6272xi32, #tpu.memory_space<vmem>>, vector<16xi32>,
      %ge3A = vector.broadcast %mul3A_3 : i32 to vector<16xi32>
      %ge3A_162 = arith.cmpi sge, %get3A_161, %ge3A : vector<16xi32>
      %add3A_163 = arith.constant 131072 : i32
      %add3A_164 = arith.addi %mul3A_3, %add3A_163 : i32
      %lt3A = vector.broadcast %add3A_164 : i32 to vector<16xi32>
      %lt3A_165 = arith.cmpi slt, %get3A_161, %lt3A : vector<16xi32>
      %and3A = arith.andi %ge3A_162, %lt3A_165 : vector<16xi1>
      %sub3A_166 = vector.broadcast %mul3A_3 : i32 to vector<16xi32>
      %sub3A_167 = arith.subi %get3A_161, %sub3A_166 : vector<16xi32>
      %shift_right_arithmetic3A_168 = arith.constant 13 : i32
      %shift_right_arithmetic3A_169 = vector.broadcast %shift_right_arithmetic3A_168 : i32 to vector<16xi32>
      %shift_right_arithmetic3A_170 = arith.shrsi %sub3A_167, %shift_right_arithmetic3A_169 : vector<16xi32>
      %jit3A = arith.constant 0 : i32
      %broadcast_in_dim3A_171 = vector.broadcast %jit3A : i32 to vector<16xi32>
      %select_n3A = arith.select %and3A, %shift_right_arithmetic3A_170, %broadcast_in_dim3A_171 : vector<16xi1>, vector<16xi32>
      %unique3A, %unique3A_172 = tpu.scan_count mask(%and3A : vector<16xi1>) value(%select_n3A : vector<16xi32>) : vector<16xi1>, vector<16xi32>
      %add3A_173 = arith.constant 1 : i32
      %add3A_174 = vector.broadcast %add3A_173 : i32 to vector<16xi32>
      %add3A_175 = arith.addi %unique3A_172, %add3A_174 : vector<16xi32>
      %and3A_176 = arith.andi %unique3A, %and3A : vector<16xi1>
      tpu.vector_store_idx %arg11[%select_n3A], %add3A_175 masked %and3A_176 {add = true} : memref<48xi32, #tpu.memory_space<vmem>>[vector<16xi32>], vector<16xi32>, vector<16xi1>
      %scan3A_177 = arith.constant 0 : i32
      scf.yield %scan3A_177 : i32
    }
    %scan3A_90 = arith.constant 392 : i32
    "tpu.trace_stop"() : () -> ()
    %get3A_91 = arith.constant 0 : index
    %get3A_92 = tpu.vector_load %arg11[%get3A_91] {strides = array<i32>} : memref<48xi32, #tpu.memory_space<vmem>>, vector<16xi32>,
    %get3A_93 = arith.constant 16 : index
    %get3A_94 = tpu.vector_load %arg11[%get3A_93] {strides = array<i32>} : memref<48xi32, #tpu.memory_space<vmem>>, vector<16xi32>,
    %add3A_95 = arith.constant 127 : i32
    %add3A_96 = vector.broadcast %add3A_95 : i32 to vector<16xi32>
    %add3A_97 = arith.addi %get3A_92, %add3A_96 : vector<16xi32>
    %shift_right_arithmetic3A_98 = arith.constant 7 : i32
    %shift_right_arithmetic3A_99 = vector.broadcast %shift_right_arithmetic3A_98 : i32 to vector<16xi32>
    %shift_right_arithmetic3A_100 = arith.shrsi %add3A_97, %shift_right_arithmetic3A_99 : vector<16xi32>
    %shift_left3A_101 = arith.constant 7 : i32
    %shift_left3A_102 = vector.broadcast %shift_left3A_101 : i32 to vector<16xi32>
    %shift_left3A_103 = arith.shli %shift_right_arithmetic3A_100, %shift_left3A_102 : vector<16xi32>
    %add3A_104 = arith.constant 127 : i32
    %add3A_105 = vector.broadcast %add3A_104 : i32 to vector<16xi32>
    %add3A_106 = arith.addi %get3A_94, %add3A_105 : vector<16xi32>
    %shift_right_arithmetic3A_107 = arith.constant 7 : i32
    %shift_right_arithmetic3A_108 = vector.broadcast %shift_right_arithmetic3A_107 : i32 to vector<16xi32>
    %shift_right_arithmetic3A_109 = arith.shrsi %add3A_106, %shift_right_arithmetic3A_108 : vector<16xi32>
    %shift_left3A_110 = arith.constant 7 : i32
    %shift_left3A_111 = vector.broadcast %shift_left3A_110 : i32 to vector<16xi32>
    %shift_left3A_112 = arith.shli %shift_right_arithmetic3A_109, %shift_left3A_111 : vector<16xi32>
    %broadcast_in_dim3A_113 = arith.constant true
    %broadcast_in_dim3A_114 = vector.broadcast %broadcast_in_dim3A_113 : i1 to vector<16xi1>
    %masked_cumsum3A_115 = tpu.scan <sum>, %shift_left3A_103 masked %broadcast_in_dim3A_114 : vector<16xi32>, vector<16xi1> -> vector<16xi32>
    %sub3A_116 = arith.subi %masked_cumsum3A_115, %shift_left3A_103 : vector<16xi32>
    %reduce_sum3A_117 = arith.constant true
    %reduce_sum3A_118 = vector.broadcast %reduce_sum3A_117 : i1 to vector<16xi1>
    %reduce_sum3A_119 = tpu.scan <sum>, %shift_left3A_103 masked %reduce_sum3A_118 : vector<16xi32>, vector<16xi1> -> vector<16xi32>
    %reduce_sum3A_120 = vector.extract %reduce_sum3A_119[15] : i32 from vector<16xi32>
    %broadcast_in_dim3A_121 = arith.constant true
    %broadcast_in_dim3A_122 = vector.broadcast %broadcast_in_dim3A_121 : i1 to vector<16xi1>
    %masked_cumsum3A_123 = tpu.scan <sum>, %shift_left3A_112 masked %broadcast_in_dim3A_122 : vector<16xi32>, vector<16xi1> -> vector<16xi32>
    %sub3A_124 = arith.subi %masked_cumsum3A_123, %shift_left3A_112 : vector<16xi32>
    %add3A_125 = vector.broadcast %reduce_sum3A_120 : i32 to vector<16xi32>
    %add3A_126 = arith.addi %sub3A_124, %add3A_125 : vector<16xi32>
    %swap3A_127 = arith.constant 0 : index
    %swap3A_128 = tpu.vector_load %arg11[%swap3A_127] {strides = array<i32>} : memref<48xi32, #tpu.memory_space<vmem>>, vector<16xi32>,
    tpu.vector_store %arg11[%swap3A_127], %sub3A_116 {strides = array<i32>} : memref<48xi32, #tpu.memory_space<vmem>>, vector<16xi32>,
    %swap3A_129 = arith.constant 16 : index
    %swap3A_130 = tpu.vector_load %arg11[%swap3A_129] {strides = array<i32>} : memref<48xi32, #tpu.memory_space<vmem>>, vector<16xi32>,
    tpu.vector_store %arg11[%swap3A_129], %add3A_126 {strides = array<i32>} : memref<48xi32, #tpu.memory_space<vmem>>, vector<16xi32>,
    "tpu.trace_start"() <{level = 10 : i32, message = "bin_prefill"}> : () -> ()
    %mul3A_131 = arith.constant 16 : i32
    %mul3A_132 = arith.muli %arg1, %mul3A_131 : i32
    %add3A_133 = arith.constant 8192 : i32
    %add3A_134 = arith.addi %add3A_133, %mul3A_132 : i32
    %add3A_135 = vector.broadcast %add3A_134 : i32 to vector<16xi32>
    %add3A_136 = arith.addi %add3A_135, %iota3A : vector<16xi32>
    %scan3A_137 = arith.constant 0 : i32
    %scan3A_138 = arith.constant 0 : i32
    %scan3A_139 = arith.constant 520 : i32
    %scan3A_140 = arith.addi %scan3A_138, %scan3A_139 : i32
    %scan3A_141 = arith.constant 1 : i32
    %scan3A_142 = scf.for %scan3A_156 = %scan3A_138 to %scan3A_140 step %scan3A_141 iter_args(%scan3A_157 = %scan3A_137) -> (i32)  : i32 {
      %shift_right_arithmetic3A_158 = arith.constant 3 : i32
      %shift_right_arithmetic3A_159 = arith.shrsi %scan3A_156, %shift_right_arithmetic3A_158 : i32
      %and3A = arith.constant 7 : i32
      %and3A_160 = arith.andi %scan3A_156, %and3A : i32
      %mul3A_161 = arith.constant 16 : i32
      %mul3A_162 = arith.muli %and3A_160, %mul3A_161 : i32
      %broadcast_in_dim3A_163 = vector.broadcast %shift_right_arithmetic3A_159 : i32 to vector<16xi32>
      %add3A_164 = vector.broadcast %mul3A_162 : i32 to vector<16xi32>
      %add3A_165 = arith.addi %add3A_164, %iota3A : vector<16xi32>
      tpu.vector_store_idx %arg8[%broadcast_in_dim3A_163, %add3A_165], %add3A_136 : memref<65x128xi32, #tpu.memory_space<vmem>>[vector<16xi32>, vector<16xi32>], vector<16xi32>,
      %mul3A_166 = arith.constant 128 : i32
      %mul3A_167 = arith.muli %shift_right_arithmetic3A_159, %mul3A_166 : i32
      %add3A_168 = vector.broadcast %mul3A_167 : i32 to vector<16xi32>
      %add3A_169 = arith.addi %add3A_168, %add3A_165 : vector<16xi32>
      %mul3A_170 = arith.constant 509 : i32
      %mul3A_171 = arith.muli %arg1, %mul3A_170 : i32
      %add3A_172 = vector.broadcast %mul3A_171 : i32 to vector<16xi32>
      %add3A_173 = arith.addi %add3A_169, %add3A_172 : vector<16xi32>
      %and3A_174 = arith.constant 8191 : i32
      %and3A_175 = vector.broadcast %and3A_174 : i32 to vector<16xi32>
      %and3A_176 = arith.andi %add3A_173, %and3A_175 : vector<16xi32>
      tpu.vector_store_idx %arg7[%broadcast_in_dim3A_163, %add3A_165], %and3A_176 : memref<65x128xi32, #tpu.memory_space<vmem>>[vector<16xi32>, vector<16xi32>], vector<16xi32>,
      %scan3A_177 = arith.constant 0 : i32
      scf.yield %scan3A_177 : i32
    }
    %scan3A_143 = arith.constant 520 : i32
    "tpu.trace_stop"() : () -> ()
    "tpu.trace_start"() <{level = 10 : i32, message = "bin_scatter"}> : () -> ()
    %scan3A_144 = arith.constant 0 : i32
    %scan3A_145 = arith.constant 0 : i32
    %scan3A_146 = arith.constant 392 : i32
    %scan3A_147 = arith.addi %scan3A_145, %scan3A_146 : i32
    %scan3A_148 = arith.constant 1 : i32
    %scan3A_149 = scf.for %scan3A_156 = %scan3A_145 to %scan3A_147 step %scan3A_148 iter_args(%scan3A_157 = %scan3A_144) -> (i32)  : i32 {
      %mul3A_158 = arith.constant 16 : i32
      %mul3A_159 = arith.muli %scan3A_156, %mul3A_158 : i32
      %get3A_160 = arith.index_cast %mul3A_159 : i32 to index
      %get3A_161 = tpu.vector_load %arg6[%get3A_160] {strides = array<i32>} : memref<6272xi32, #tpu.memory_space<vmem>>, vector<16xi32>,
      %ge3A = vector.broadcast %mul3A_3 : i32 to vector<16xi32>
      %ge3A_162 = arith.cmpi sge, %get3A_161, %ge3A : vector<16xi32>
      %add3A_163 = arith.constant 131072 : i32
      %add3A_164 = arith.addi %mul3A_3, %add3A_163 : i32
      %lt3A = vector.broadcast %add3A_164 : i32 to vector<16xi32>
      %lt3A_165 = arith.cmpi slt, %get3A_161, %lt3A : vector<16xi32>
      %and3A = arith.andi %ge3A_162, %lt3A_165 : vector<16xi1>
      %sub3A_166 = vector.broadcast %mul3A_3 : i32 to vector<16xi32>
      %sub3A_167 = arith.subi %get3A_161, %sub3A_166 : vector<16xi32>
      %shift_right_arithmetic3A_168 = arith.constant 13 : i32
      %shift_right_arithmetic3A_169 = vector.broadcast %shift_right_arithmetic3A_168 : i32 to vector<16xi32>
      %shift_right_arithmetic3A_170 = arith.shrsi %sub3A_167, %shift_right_arithmetic3A_169 : vector<16xi32>
      %jit3A = arith.constant 0 : i32
      %broadcast_in_dim3A_171 = vector.broadcast %jit3A : i32 to vector<16xi32>
      %select_n3A = arith.select %and3A, %shift_right_arithmetic3A_170, %broadcast_in_dim3A_171 : vector<16xi1>, vector<16xi32>
      %unique3A, %unique3A_172 = tpu.scan_count mask(%and3A : vector<16xi1>) value(%select_n3A : vector<16xi32>) : vector<16xi1>, vector<16xi32>
      %gather3A = tpu.vector_load_idx %arg11[%select_n3A] masked %and3A : memref<48xi32, #tpu.memory_space<vmem>>[vector<16xi32>], vector<16xi32>, vector<16xi1>
      %add3A_173 = arith.addi %gather3A, %unique3A_172 : vector<16xi32>
      %mul3A_174 = arith.constant 6272 : i32
      %mul3A_175 = arith.muli %arg1, %mul3A_174 : i32
      %mul3A_176 = arith.constant 16 : i32
      %mul3A_177 = arith.muli %scan3A_156, %mul3A_176 : i32
      %add3A_178 = arith.addi %mul3A_175, %mul3A_177 : i32
      %add3A_179 = vector.broadcast %add3A_178 : i32 to vector<16xi32>
      %add3A_180 = arith.addi %add3A_179, %iota3A : vector<16xi32>
      %shift_right_arithmetic3A_181 = arith.constant 7 : i32
      %shift_right_arithmetic3A_182 = vector.broadcast %shift_right_arithmetic3A_181 : i32 to vector<16xi32>
      %shift_right_arithmetic3A_183 = arith.shrsi %add3A_173, %shift_right_arithmetic3A_182 : vector<16xi32>
      %and3A_184 = arith.constant 127 : i32
      %and3A_185 = vector.broadcast %and3A_184 : i32 to vector<16xi32>
      %and3A_186 = arith.andi %add3A_173, %and3A_185 : vector<16xi32>
      tpu.vector_store_idx %arg7[%shift_right_arithmetic3A_183, %and3A_186], %add3A_180 masked %and3A : memref<65x128xi32, #tpu.memory_space<vmem>>[vector<16xi32>, vector<16xi32>], vector<16xi32>, vector<16xi1>
      %shift_right_arithmetic3A_187 = arith.constant 7 : i32
      %shift_right_arithmetic3A_188 = vector.broadcast %shift_right_arithmetic3A_187 : i32 to vector<16xi32>
      %shift_right_arithmetic3A_189 = arith.shrsi %add3A_173, %shift_right_arithmetic3A_188 : vector<16xi32>
      %and3A_190 = arith.constant 127 : i32
      %and3A_191 = vector.broadcast %and3A_190 : i32 to vector<16xi32>
      %and3A_192 = arith.andi %add3A_173, %and3A_191 : vector<16xi32>
      %and3A_193 = arith.constant 8191 : i32
      %and3A_194 = vector.broadcast %and3A_193 : i32 to vector<16xi32>
      %and3A_195 = arith.andi %sub3A_167, %and3A_194 : vector<16xi32>
      tpu.vector_store_idx %arg8[%shift_right_arithmetic3A_189, %and3A_192], %and3A_195 masked %and3A : memref<65x128xi32, #tpu.memory_space<vmem>>[vector<16xi32>, vector<16xi32>], vector<16xi32>, vector<16xi1>
      %add3A_196 = arith.constant 1 : i32
      %add3A_197 = vector.broadcast %add3A_196 : i32 to vector<16xi32>
      %add3A_198 = arith.addi %unique3A_172, %add3A_197 : vector<16xi32>
      %and3A_199 = arith.andi %unique3A, %and3A : vector<16xi1>
      tpu.vector_store_idx %arg11[%select_n3A], %add3A_198 masked %and3A_199 {add = true} : memref<48xi32, #tpu.memory_space<vmem>>[vector<16xi32>], vector<16xi32>, vector<16xi1>
      %scan3A_200 = arith.constant 0 : i32
      scf.yield %scan3A_200 : i32
    }
    %scan3A_150 = arith.constant 392 : i32
    "tpu.trace_stop"() : () -> ()
    "tpu.trace_start"() <{level = 10 : i32, message = "chunk_passes"}> : () -> ()
    %scan3A_151 = arith.constant 0 : i32
    %scan3A_152 = arith.constant 16 : i32
    %scan3A_153 = arith.addi %scan3A_151, %scan3A_152 : i32
    %scan3A_154 = arith.constant 1 : i32
    scf.for %scan3A_156 = %scan3A_151 to %scan3A_153 step %scan3A_154  : i32 {
      %mul3A_157 = arith.constant 1 : i32
      %mul3A_158 = arith.muli %scan3A_156, %mul3A_157 : i32
      %add3A_159 = arith.constant 0 : i32
      %add3A_160 = arith.addi %add3A_159, %mul3A_158 : i32
      %mul3A_161 = arith.constant 8192 : i32
      %mul3A_162 = arith.muli %add3A_160, %mul3A_161 : i32
      %add3A_163 = arith.addi %mul3A_3, %mul3A_162 : i32
      %and3A = arith.constant 15 : i32
      %and3A_164 = arith.andi %add3A_160, %and3A : i32
      %ge3A = arith.constant 16 : i32
      %ge3A_165 = arith.cmpi sge, %add3A_160, %ge3A : i32
      %select_n3A = arith.select %ge3A_165, %add3A_126, %sub3A_116 : vector<16xi32>
      %select_n3A_166 = arith.select %ge3A_165, %shift_left3A_112, %shift_left3A_103 : vector<16xi32>
      %eq3A = vector.broadcast %and3A_164 : i32 to vector<16xi32>
      %eq3A_167 = arith.cmpi eq, %iota3A, %eq3A : vector<16xi32>
      %jit3A = arith.constant 0 : i32
      %broadcast_in_dim3A_168 = vector.broadcast %jit3A : i32 to vector<16xi32>
      %select_n3A_169 = arith.select %eq3A_167, %select_n3A, %broadcast_in_dim3A_168 : vector<16xi1>, vector<16xi32>
      %reduce_sum3A_170 = arith.constant true
      %reduce_sum3A_171 = vector.broadcast %reduce_sum3A_170 : i1 to vector<16xi1>
      %reduce_sum3A_172 = tpu.scan <sum>, %select_n3A_169 masked %reduce_sum3A_171 : vector<16xi32>, vector<16xi1> -> vector<16xi32>
      %reduce_sum3A_173 = vector.extract %reduce_sum3A_172[15] : i32 from vector<16xi32>
      %shift_right_arithmetic3A_174 = arith.constant 7 : i32
      %shift_right_arithmetic3A_175 = arith.shrsi %reduce_sum3A_173, %shift_right_arithmetic3A_174 : i32
      %jit3A_176 = arith.constant 0 : i32
      %broadcast_in_dim3A_177 = vector.broadcast %jit3A_176 : i32 to vector<16xi32>
      %select_n3A_178 = arith.select %eq3A_167, %select_n3A_166, %broadcast_in_dim3A_177 : vector<16xi1>, vector<16xi32>
      %reduce_sum3A_179 = arith.constant true
      %reduce_sum3A_180 = vector.broadcast %reduce_sum3A_179 : i1 to vector<16xi1>
      %reduce_sum3A_181 = tpu.scan <sum>, %select_n3A_178 masked %reduce_sum3A_180 : vector<16xi32>, vector<16xi1> -> vector<16xi32>
      %reduce_sum3A_182 = vector.extract %reduce_sum3A_181[15] : i32 from vector<16xi32>
      %shift_right_arithmetic3A_183 = arith.constant 7 : i32
      %shift_right_arithmetic3A_184 = arith.shrsi %reduce_sum3A_182, %shift_right_arithmetic3A_183 : i32
      "tpu.trace_start"() <{level = 10 : i32, message = "seg_streams"}> : () -> ()
      %add3A_185 = arith.constant 1 : i32
      %add3A_186 = arith.addi %shift_right_arithmetic3A_184, %add3A_185 : i32
      %shift_right_arithmetic3A_187 = arith.constant 1 : i32
      %shift_right_arithmetic3A_188 = arith.shrsi %add3A_186, %shift_right_arithmetic3A_187 : i32
      %while3A = arith.constant 0 : i32
      %while3A_189 = arith.constant 0 : i32
      %while3A_190 = arith.subi %shift_right_arithmetic3A_188, %while3A : i32
      %while3A_191 = arith.addi %while3A, %while3A_190 : i32
      %while3A_192 = arith.constant 1 : i32
      %while3A_193 = arith.divsi %while3A_190, %while3A_192 : i32
      %while3A_194 = arith.muli %while3A_193, %while3A_192 : i32
      %while3A_195 = arith.addi %while3A, %while3A_194 : i32
      %while3A_196 = arith.constant 1 : i32
      %while3A_197 = scf.for %while3A_212 = %while3A to %while3A_195 step %while3A_196 iter_args(%while3A_213 = %while3A_189) -> (i32)  : i32 {
        %mul3A_214 = arith.constant 2 : i32
        %mul3A_215 = arith.muli %while3A_212, %mul3A_214 : i32
        %add3A_216 = arith.addi %shift_right_arithmetic3A_175, %mul3A_215 : i32
        %add3A_217 = arith.constant 1 : i32
        %add3A_218 = arith.addi %add3A_216, %add3A_217 : i32
        %mul3A_219 = arith.constant 2 : i32
        %mul3A_220 = arith.muli %while3A_212, %mul3A_219 : i32
        %add3A_221 = arith.constant 1 : i32
        %add3A_222 = arith.addi %mul3A_220, %add3A_221 : i32
        %lt3A = arith.cmpi slt, %add3A_222, %shift_right_arithmetic3A_184 : i32
        %gt3A = arith.constant 0 : i32
        %gt3A_223 = arith.cmpi sgt, %while3A_212, %gt3A : i32
        %convert_element_type3A_224 = arith.extui %gt3A_223 : i1 to i32
        %cond3A_225 = arith.constant 0 : i32
        %cond3A_226 = arith.cmpi ne, %convert_element_type3A_224, %cond3A_225 : i32
        scf.if %cond3A_226 {
          %sub3A_260 = arith.constant 2 : i32
          %sub3A_261 = arith.subi %add3A_216, %sub3A_260 : i32
          %dma_wait3A_262 = arith.constant 0 : i32
          %dma_wait3A_263 = tpu.memref_slice %arg8[%sub3A_261, %dma_wait3A_262] : memref<65x128xi32, #tpu.memory_space<vmem>> -> memref<1x128xi32, #tpu.memory_space<vmem>>
          %dma_wait3A_264 = tpu.memref_squeeze %dma_wait3A_263 : memref<1x128xi32, #tpu.memory_space<vmem>> -> memref<128xi32, #tpu.memory_space<vmem>>
          %dma_wait3A_265 = arith.constant 0 : i32
          %dma_wait3A_266 = arith.constant 0 : i32
          %dma_wait3A_267 = tpu.memref_slice %arg14[%dma_wait3A_265, %dma_wait3A_266] : memref<8448x128xf32, #tpu.memory_space<vmem_shared>> -> memref<8448x128xf32, #tpu.memory_space<vmem_shared>>
          tpu.wait_indirect_dma semaphore(%arg12 : memref<!tpu.dma_semaphore, #tpu.memory_space<semaphore_mem>>) src(%arg9 : memref<128x128xf32, #tpu.memory_space<vmem>>) dst(%dma_wait3A_267 : memref<8448x128xf32, #tpu.memory_space<vmem_shared>>)
        } else {
        }
        %dma_start3A = arith.constant 1 : i32
        %dma_start3A_227 = arith.constant 0 : i32
        %dma_start3A_228 = tpu.memref_slice %arg7[%add3A_216, %dma_start3A_227] : memref<65x128xi32, #tpu.memory_space<vmem>> -> memref<1x128xi32, #tpu.memory_space<vmem>>
        %dma_start3A_229 = tpu.memref_squeeze %dma_start3A_228 : memref<1x128xi32, #tpu.memory_space<vmem>> -> memref<128xi32, #tpu.memory_space<vmem>>
        %dma_start3A_230 = arith.constant 0 : i32
        %dma_start3A_231 = arith.constant 0 : i32
        %dma_start3A_232 = tpu.memref_slice %arg2[%dma_start3A, %dma_start3A_230, %dma_start3A_231] : memref<2x100000x128xf32, #tpu.memory_space<hbm>> -> memref<1x100000x128xf32, #tpu.memory_space<hbm>>
        %dma_start3A_233 = tpu.memref_squeeze %dma_start3A_232 : memref<1x100000x128xf32, #tpu.memory_space<hbm>> -> memref<100000x128xf32, #tpu.memory_space<hbm>>
        %dma_start3A_234 = arith.constant 0 : i32
        %dma_start3A_235 = arith.constant 0 : i32
        %dma_start3A_236 = tpu.memref_slice %dma_start3A_233[%dma_start3A_234, %dma_start3A_235] : memref<100000x128xf32, #tpu.memory_space<hbm>> -> memref<100000x128xf32, #tpu.memory_space<hbm>>
        tpu.enqueue_indirect_dma source(%dma_start3A_236 : memref<100000x128xf32, #tpu.memory_space<hbm>>) target(%arg9 : memref<128x128xf32, #tpu.memory_space<vmem>>) offsets(%dma_start3A_229 : memref<128xi32, #tpu.memory_space<vmem>>) semaphore(%arg13 : memref<!tpu.dma_semaphore, #tpu.memory_space<semaphore_mem>>)
        %convert_element_type3A_237 = arith.extui %lt3A : i1 to i32
        %cond3A_238 = arith.constant 0 : i32
        %cond3A_239 = arith.cmpi ne, %convert_element_type3A_237, %cond3A_238 : i32
        scf.if %cond3A_239 {
          %gt3A_260 = arith.constant 0 : i32
          %gt3A_261 = arith.cmpi sgt, %while3A_212, %gt3A_260 : i32
          %convert_element_type3A_262 = arith.extui %gt3A_261 : i1 to i32
          %cond3A_263 = arith.constant 0 : i32
          %cond3A_264 = arith.cmpi ne, %convert_element_type3A_262, %cond3A_263 : i32
          scf.if %cond3A_264 {
            %sub3A_276 = arith.constant 2 : i32
            %sub3A_277 = arith.subi %add3A_218, %sub3A_276 : i32
            %dma_wait3A_278 = arith.constant 0 : i32
            %dma_wait3A_279 = tpu.memref_slice %arg8[%sub3A_277, %dma_wait3A_278] : memref<65x128xi32, #tpu.memory_space<vmem>> -> memref<1x128xi32, #tpu.memory_space<vmem>>
            %dma_wait3A_280 = tpu.memref_squeeze %dma_wait3A_279 : memref<1x128xi32, #tpu.memory_space<vmem>> -> memref<128xi32, #tpu.memory_space<vmem>>
            %dma_wait3A_281 = arith.constant 0 : i32
            %dma_wait3A_282 = arith.constant 0 : i32
            %dma_wait3A_283 = tpu.memref_slice %arg14[%dma_wait3A_281, %dma_wait3A_282] : memref<8448x128xf32, #tpu.memory_space<vmem_shared>> -> memref<8448x128xf32, #tpu.memory_space<vmem_shared>>
            tpu.wait_indirect_dma semaphore(%arg12 : memref<!tpu.dma_semaphore, #tpu.memory_space<semaphore_mem>>) src(%arg10 : memref<128x128xf32, #tpu.memory_space<vmem>>) dst(%dma_wait3A_283 : memref<8448x128xf32, #tpu.memory_space<vmem_shared>>)
          } else {
          }
          %dma_start3A_265 = arith.constant 1 : i32
          %dma_start3A_266 = arith.constant 0 : i32
          %dma_start3A_267 = tpu.memref_slice %arg7[%add3A_218, %dma_start3A_266] : memref<65x128xi32, #tpu.memory_space<vmem>> -> memref<1x128xi32, #tpu.memory_space<vmem>>
          %dma_start3A_268 = tpu.memref_squeeze %dma_start3A_267 : memref<1x128xi32, #tpu.memory_space<vmem>> -> memref<128xi32, #tpu.memory_space<vmem>>
          %dma_start3A_269 = arith.constant 0 : i32
          %dma_start3A_270 = arith.constant 0 : i32
          %dma_start3A_271 = tpu.memref_slice %arg2[%dma_start3A_265, %dma_start3A_269, %dma_start3A_270] : memref<2x100000x128xf32, #tpu.memory_space<hbm>> -> memref<1x100000x128xf32, #tpu.memory_space<hbm>>
          %dma_start3A_272 = tpu.memref_squeeze %dma_start3A_271 : memref<1x100000x128xf32, #tpu.memory_space<hbm>> -> memref<100000x128xf32, #tpu.memory_space<hbm>>
          %dma_start3A_273 = arith.constant 0 : i32
          %dma_start3A_274 = arith.constant 0 : i32
          %dma_start3A_275 = tpu.memref_slice %dma_start3A_272[%dma_start3A_273, %dma_start3A_274] : memref<100000x128xf32, #tpu.memory_space<hbm>> -> memref<100000x128xf32, #tpu.memory_space<hbm>>
          tpu.enqueue_indirect_dma source(%dma_start3A_275 : memref<100000x128xf32, #tpu.memory_space<hbm>>) target(%arg10 : memref<128x128xf32, #tpu.memory_space<vmem>>) offsets(%dma_start3A_268 : memref<128xi32, #tpu.memory_space<vmem>>) semaphore(%arg13 : memref<!tpu.dma_semaphore, #tpu.memory_space<semaphore_mem>>)
        } else {
        }
        %dma_wait3A = arith.constant 1 : i32
        %dma_wait3A_240 = arith.constant 0 : i32
        %dma_wait3A_241 = tpu.memref_slice %arg7[%add3A_216, %dma_wait3A_240] : memref<65x128xi32, #tpu.memory_space<vmem>> -> memref<1x128xi32, #tpu.memory_space<vmem>>
        %dma_wait3A_242 = tpu.memref_squeeze %dma_wait3A_241 : memref<1x128xi32, #tpu.memory_space<vmem>> -> memref<128xi32, #tpu.memory_space<vmem>>
        %dma_wait3A_243 = arith.constant 0 : i32
        %dma_wait3A_244 = arith.constant 0 : i32
        %dma_wait3A_245 = tpu.memref_slice %arg2[%dma_wait3A, %dma_wait3A_243, %dma_wait3A_244] : memref<2x100000x128xf32, #tpu.memory_space<hbm>> -> memref<1x100000x128xf32, #tpu.memory_space<hbm>>
        %dma_wait3A_246 = tpu.memref_squeeze %dma_wait3A_245 : memref<1x100000x128xf32, #tpu.memory_space<hbm>> -> memref<100000x128xf32, #tpu.memory_space<hbm>>
        %dma_wait3A_247 = arith.constant 0 : i32
        %dma_wait3A_248 = arith.constant 0 : i32
        %dma_wait3A_249 = tpu.memref_slice %dma_wait3A_246[%dma_wait3A_247, %dma_wait3A_248] : memref<100000x128xf32, #tpu.memory_space<hbm>> -> memref<100000x128xf32, #tpu.memory_space<hbm>>
        tpu.wait_indirect_dma semaphore(%arg13 : memref<!tpu.dma_semaphore, #tpu.memory_space<semaphore_mem>>) src(%dma_wait3A_249 : memref<100000x128xf32, #tpu.memory_space<hbm>>) dst(%arg9 : memref<128x128xf32, #tpu.memory_space<vmem>>)
        %dma_start3A_250 = arith.constant 0 : i32
        %dma_start3A_251 = tpu.memref_slice %arg8[%add3A_216, %dma_start3A_250] : memref<65x128xi32, #tpu.memory_space<vmem>> -> memref<1x128xi32, #tpu.memory_space<vmem>>
        %dma_start3A_252 = tpu.memref_squeeze %dma_start3A_251 : memref<1x128xi32, #tpu.memory_space<vmem>> -> memref<128xi32, #tpu.memory_space<vmem>>
        %dma_start3A_253 = arith.constant 0 : i32
        %dma_start3A_254 = arith.constant 0 : i32
        %dma_start3A_255 = tpu.memref_slice %arg14[%dma_start3A_253, %dma_start3A_254] : memref<8448x128xf32, #tpu.memory_space<vmem_shared>> -> memref<8448x128xf32, #tpu.memory_space<vmem_shared>>
        tpu.enqueue_indirect_dma source(%arg9 : memref<128x128xf32, #tpu.memory_space<vmem>>) target(%dma_start3A_255 : memref<8448x128xf32, #tpu.memory_space<vmem_shared>>) offsets(%dma_start3A_252 : memref<128xi32, #tpu.memory_space<vmem>>) semaphore(%arg12 : memref<!tpu.dma_semaphore, #tpu.memory_space<semaphore_mem>>) {add = true}
        %convert_element_type3A_256 = arith.extui %lt3A : i1 to i32
        %cond3A_257 = arith.constant 0 : i32
        %cond3A_258 = arith.cmpi ne, %convert_element_type3A_256, %cond3A_257 : i32
        scf.if %cond3A_258 {
          %dma_wait3A_260 = arith.constant 1 : i32
          %dma_wait3A_261 = arith.constant 0 : i32
          %dma_wait3A_262 = tpu.memref_slice %arg7[%add3A_218, %dma_wait3A_261] : memref<65x128xi32, #tpu.memory_space<vmem>> -> memref<1x128xi32, #tpu.memory_space<vmem>>
          %dma_wait3A_263 = tpu.memref_squeeze %dma_wait3A_262 : memref<1x128xi32, #tpu.memory_space<vmem>> -> memref<128xi32, #tpu.memory_space<vmem>>
          %dma_wait3A_264 = arith.constant 0 : i32
          %dma_wait3A_265 = arith.constant 0 : i32
          %dma_wait3A_266 = tpu.memref_slice %arg2[%dma_wait3A_260, %dma_wait3A_264, %dma_wait3A_265] : memref<2x100000x128xf32, #tpu.memory_space<hbm>> -> memref<1x100000x128xf32, #tpu.memory_space<hbm>>
          %dma_wait3A_267 = tpu.memref_squeeze %dma_wait3A_266 : memref<1x100000x128xf32, #tpu.memory_space<hbm>> -> memref<100000x128xf32, #tpu.memory_space<hbm>>
          %dma_wait3A_268 = arith.constant 0 : i32
          %dma_wait3A_269 = arith.constant 0 : i32
          %dma_wait3A_270 = tpu.memref_slice %dma_wait3A_267[%dma_wait3A_268, %dma_wait3A_269] : memref<100000x128xf32, #tpu.memory_space<hbm>> -> memref<100000x128xf32, #tpu.memory_space<hbm>>
          tpu.wait_indirect_dma semaphore(%arg13 : memref<!tpu.dma_semaphore, #tpu.memory_space<semaphore_mem>>) src(%dma_wait3A_270 : memref<100000x128xf32, #tpu.memory_space<hbm>>) dst(%arg10 : memref<128x128xf32, #tpu.memory_space<vmem>>)
          %dma_start3A_271 = arith.constant 0 : i32
          %dma_start3A_272 = tpu.memref_slice %arg8[%add3A_218, %dma_start3A_271] : memref<65x128xi32, #tpu.memory_space<vmem>> -> memref<1x128xi32, #tpu.memory_space<vmem>>
          %dma_start3A_273 = tpu.memref_squeeze %dma_start3A_272 : memref<1x128xi32, #tpu.memory_space<vmem>> -> memref<128xi32, #tpu.memory_space<vmem>>
          %dma_start3A_274 = arith.constant 0 : i32
          %dma_start3A_275 = arith.constant 0 : i32
          %dma_start3A_276 = tpu.memref_slice %arg14[%dma_start3A_274, %dma_start3A_275] : memref<8448x128xf32, #tpu.memory_space<vmem_shared>> -> memref<8448x128xf32, #tpu.memory_space<vmem_shared>>
          tpu.enqueue_indirect_dma source(%arg10 : memref<128x128xf32, #tpu.memory_space<vmem>>) target(%dma_start3A_276 : memref<8448x128xf32, #tpu.memory_space<vmem_shared>>) offsets(%dma_start3A_273 : memref<128xi32, #tpu.memory_space<vmem>>) semaphore(%arg12 : memref<!tpu.dma_semaphore, #tpu.memory_space<semaphore_mem>>) {add = true}
        } else {
        }
        %while3A_259 = arith.constant 0 : i32
        scf.yield %while3A_259 : i32
      }
      %while3A_198 = arith.constant 1 : i32
      %while3A_199 = scf.for %while3A_212 = %while3A_195 to %while3A_191 step %while3A_198 iter_args(%while3A_213 = %while3A_197) -> (i32)  : i32 {
        %mul3A_214 = arith.constant 2 : i32
        %mul3A_215 = arith.muli %while3A_212, %mul3A_214 : i32
        %add3A_216 = arith.addi %shift_right_arithmetic3A_175, %mul3A_215 : i32
        %add3A_217 = arith.constant 1 : i32
        %add3A_218 = arith.addi %add3A_216, %add3A_217 : i32
        %mul3A_219 = arith.constant 2 : i32
        %mul3A_220 = arith.muli %while3A_212, %mul3A_219 : i32
        %add3A_221 = arith.constant 1 : i32
        %add3A_222 = arith.addi %mul3A_220, %add3A_221 : i32
        %lt3A = arith.cmpi slt, %add3A_222, %shift_right_arithmetic3A_184 : i32
        %gt3A = arith.constant 0 : i32
        %gt3A_223 = arith.cmpi sgt, %while3A_212, %gt3A : i32
        %convert_element_type3A_224 = arith.extui %gt3A_223 : i1 to i32
        %cond3A_225 = arith.constant 0 : i32
        %cond3A_226 = arith.cmpi ne, %convert_element_type3A_224, %cond3A_225 : i32
        scf.if %cond3A_226 {
          %sub3A_260 = arith.constant 2 : i32
          %sub3A_261 = arith.subi %add3A_216, %sub3A_260 : i32
          %dma_wait3A_262 = arith.constant 0 : i32
          %dma_wait3A_263 = tpu.memref_slice %arg8[%sub3A_261, %dma_wait3A_262] : memref<65x128xi32, #tpu.memory_space<vmem>> -> memref<1x128xi32, #tpu.memory_space<vmem>>
          %dma_wait3A_264 = tpu.memref_squeeze %dma_wait3A_263 : memref<1x128xi32, #tpu.memory_space<vmem>> -> memref<128xi32, #tpu.memory_space<vmem>>
          %dma_wait3A_265 = arith.constant 0 : i32
          %dma_wait3A_266 = arith.constant 0 : i32
          %dma_wait3A_267 = tpu.memref_slice %arg14[%dma_wait3A_265, %dma_wait3A_266] : memref<8448x128xf32, #tpu.memory_space<vmem_shared>> -> memref<8448x128xf32, #tpu.memory_space<vmem_shared>>
          tpu.wait_indirect_dma semaphore(%arg12 : memref<!tpu.dma_semaphore, #tpu.memory_space<semaphore_mem>>) src(%arg9 : memref<128x128xf32, #tpu.memory_space<vmem>>) dst(%dma_wait3A_267 : memref<8448x128xf32, #tpu.memory_space<vmem_shared>>)
        } else {
        }
        %dma_start3A = arith.constant 1 : i32
        %dma_start3A_227 = arith.constant 0 : i32
        %dma_start3A_228 = tpu.memref_slice %arg7[%add3A_216, %dma_start3A_227] : memref<65x128xi32, #tpu.memory_space<vmem>> -> memref<1x128xi32, #tpu.memory_space<vmem>>
        %dma_start3A_229 = tpu.memref_squeeze %dma_start3A_228 : memref<1x128xi32, #tpu.memory_space<vmem>> -> memref<128xi32, #tpu.memory_space<vmem>>
        %dma_start3A_230 = arith.constant 0 : i32
        %dma_start3A_231 = arith.constant 0 : i32
        %dma_start3A_232 = tpu.memref_slice %arg2[%dma_start3A, %dma_start3A_230, %dma_start3A_231] : memref<2x100000x128xf32, #tpu.memory_space<hbm>> -> memref<1x100000x128xf32, #tpu.memory_space<hbm>>
        %dma_start3A_233 = tpu.memref_squeeze %dma_start3A_232 : memref<1x100000x128xf32, #tpu.memory_space<hbm>> -> memref<100000x128xf32, #tpu.memory_space<hbm>>
        %dma_start3A_234 = arith.constant 0 : i32
        %dma_start3A_235 = arith.constant 0 : i32
        %dma_start3A_236 = tpu.memref_slice %dma_start3A_233[%dma_start3A_234, %dma_start3A_235] : memref<100000x128xf32, #tpu.memory_space<hbm>> -> memref<100000x128xf32, #tpu.memory_space<hbm>>
        tpu.enqueue_indirect_dma source(%dma_start3A_236 : memref<100000x128xf32, #tpu.memory_space<hbm>>) target(%arg9 : memref<128x128xf32, #tpu.memory_space<vmem>>) offsets(%dma_start3A_229 : memref<128xi32, #tpu.memory_space<vmem>>) semaphore(%arg13 : memref<!tpu.dma_semaphore, #tpu.memory_space<semaphore_mem>>)
        %convert_element_type3A_237 = arith.extui %lt3A : i1 to i32
        %cond3A_238 = arith.constant 0 : i32
        %cond3A_239 = arith.cmpi ne, %convert_element_type3A_237, %cond3A_238 : i32
        scf.if %cond3A_239 {
          %gt3A_260 = arith.constant 0 : i32
          %gt3A_261 = arith.cmpi sgt, %while3A_212, %gt3A_260 : i32
          %convert_element_type3A_262 = arith.extui %gt3A_261 : i1 to i32
          %cond3A_263 = arith.constant 0 : i32
          %cond3A_264 = arith.cmpi ne, %convert_element_type3A_262, %cond3A_263 : i32
          scf.if %cond3A_264 {
            %sub3A_276 = arith.constant 2 : i32
            %sub3A_277 = arith.subi %add3A_218, %sub3A_276 : i32
            %dma_wait3A_278 = arith.constant 0 : i32
            %dma_wait3A_279 = tpu.memref_slice %arg8[%sub3A_277, %dma_wait3A_278] : memref<65x128xi32, #tpu.memory_space<vmem>> -> memref<1x128xi32, #tpu.memory_space<vmem>>
            %dma_wait3A_280 = tpu.memref_squeeze %dma_wait3A_279 : memref<1x128xi32, #tpu.memory_space<vmem>> -> memref<128xi32, #tpu.memory_space<vmem>>
            %dma_wait3A_281 = arith.constant 0 : i32
            %dma_wait3A_282 = arith.constant 0 : i32
            %dma_wait3A_283 = tpu.memref_slice %arg14[%dma_wait3A_281, %dma_wait3A_282] : memref<8448x128xf32, #tpu.memory_space<vmem_shared>> -> memref<8448x128xf32, #tpu.memory_space<vmem_shared>>
            tpu.wait_indirect_dma semaphore(%arg12 : memref<!tpu.dma_semaphore, #tpu.memory_space<semaphore_mem>>) src(%arg10 : memref<128x128xf32, #tpu.memory_space<vmem>>) dst(%dma_wait3A_283 : memref<8448x128xf32, #tpu.memory_space<vmem_shared>>)
          } else {
          }
          %dma_start3A_265 = arith.constant 1 : i32
          %dma_start3A_266 = arith.constant 0 : i32
          %dma_start3A_267 = tpu.memref_slice %arg7[%add3A_218, %dma_start3A_266] : memref<65x128xi32, #tpu.memory_space<vmem>> -> memref<1x128xi32, #tpu.memory_space<vmem>>
          %dma_start3A_268 = tpu.memref_squeeze %dma_start3A_267 : memref<1x128xi32, #tpu.memory_space<vmem>> -> memref<128xi32, #tpu.memory_space<vmem>>
          %dma_start3A_269 = arith.constant 0 : i32
          %dma_start3A_270 = arith.constant 0 : i32
          %dma_start3A_271 = tpu.memref_slice %arg2[%dma_start3A_265, %dma_start3A_269, %dma_start3A_270] : memref<2x100000x128xf32, #tpu.memory_space<hbm>> -> memref<1x100000x128xf32, #tpu.memory_space<hbm>>
          %dma_start3A_272 = tpu.memref_squeeze %dma_start3A_271 : memref<1x100000x128xf32, #tpu.memory_space<hbm>> -> memref<100000x128xf32, #tpu.memory_space<hbm>>
          %dma_start3A_273 = arith.constant 0 : i32
          %dma_start3A_274 = arith.constant 0 : i32
          %dma_start3A_275 = tpu.memref_slice %dma_start3A_272[%dma_start3A_273, %dma_start3A_274] : memref<100000x128xf32, #tpu.memory_space<hbm>> -> memref<100000x128xf32, #tpu.memory_space<hbm>>
          tpu.enqueue_indirect_dma source(%dma_start3A_275 : memref<100000x128xf32, #tpu.memory_space<hbm>>) target(%arg10 : memref<128x128xf32, #tpu.memory_space<vmem>>) offsets(%dma_start3A_268 : memref<128xi32, #tpu.memory_space<vmem>>) semaphore(%arg13 : memref<!tpu.dma_semaphore, #tpu.memory_space<semaphore_mem>>)
        } else {
        }
        %dma_wait3A = arith.constant 1 : i32
        %dma_wait3A_240 = arith.constant 0 : i32
        %dma_wait3A_241 = tpu.memref_slice %arg7[%add3A_216, %dma_wait3A_240] : memref<65x128xi32, #tpu.memory_space<vmem>> -> memref<1x128xi32, #tpu.memory_space<vmem>>
        %dma_wait3A_242 = tpu.memref_squeeze %dma_wait3A_241 : memref<1x128xi32, #tpu.memory_space<vmem>> -> memref<128xi32, #tpu.memory_space<vmem>>
        %dma_wait3A_243 = arith.constant 0 : i32
        %dma_wait3A_244 = arith.constant 0 : i32
        %dma_wait3A_245 = tpu.memref_slice %arg2[%dma_wait3A, %dma_wait3A_243, %dma_wait3A_244] : memref<2x100000x128xf32, #tpu.memory_space<hbm>> -> memref<1x100000x128xf32, #tpu.memory_space<hbm>>
        %dma_wait3A_246 = tpu.memref_squeeze %dma_wait3A_245 : memref<1x100000x128xf32, #tpu.memory_space<hbm>> -> memref<100000x128xf32, #tpu.memory_space<hbm>>
        %dma_wait3A_247 = arith.constant 0 : i32
        %dma_wait3A_248 = arith.constant 0 : i32
        %dma_wait3A_249 = tpu.memref_slice %dma_wait3A_246[%dma_wait3A_247, %dma_wait3A_248] : memref<100000x128xf32, #tpu.memory_space<hbm>> -> memref<100000x128xf32, #tpu.memory_space<hbm>>
        tpu.wait_indirect_dma semaphore(%arg13 : memref<!tpu.dma_semaphore, #tpu.memory_space<semaphore_mem>>) src(%dma_wait3A_249 : memref<100000x128xf32, #tpu.memory_space<hbm>>) dst(%arg9 : memref<128x128xf32, #tpu.memory_space<vmem>>)
        %dma_start3A_250 = arith.constant 0 : i32
        %dma_start3A_251 = tpu.memref_slice %arg8[%add3A_216, %dma_start3A_250] : memref<65x128xi32, #tpu.memory_space<vmem>> -> memref<1x128xi32, #tpu.memory_space<vmem>>
        %dma_start3A_252 = tpu.memref_squeeze %dma_start3A_251 : memref<1x128xi32, #tpu.memory_space<vmem>> -> memref<128xi32, #tpu.memory_space<vmem>>
        %dma_start3A_253 = arith.constant 0 : i32
        %dma_start3A_254 = arith.constant 0 : i32
        %dma_start3A_255 = tpu.memref_slice %arg14[%dma_start3A_253, %dma_start3A_254] : memref<8448x128xf32, #tpu.memory_space<vmem_shared>> -> memref<8448x128xf32, #tpu.memory_space<vmem_shared>>
        tpu.enqueue_indirect_dma source(%arg9 : memref<128x128xf32, #tpu.memory_space<vmem>>) target(%dma_start3A_255 : memref<8448x128xf32, #tpu.memory_space<vmem_shared>>) offsets(%dma_start3A_252 : memref<128xi32, #tpu.memory_space<vmem>>) semaphore(%arg12 : memref<!tpu.dma_semaphore, #tpu.memory_space<semaphore_mem>>) {add = true}
        %convert_element_type3A_256 = arith.extui %lt3A : i1 to i32
        %cond3A_257 = arith.constant 0 : i32
        %cond3A_258 = arith.cmpi ne, %convert_element_type3A_256, %cond3A_257 : i32
        scf.if %cond3A_258 {
          %dma_wait3A_260 = arith.constant 1 : i32
          %dma_wait3A_261 = arith.constant 0 : i32
          %dma_wait3A_262 = tpu.memref_slice %arg7[%add3A_218, %dma_wait3A_261] : memref<65x128xi32, #tpu.memory_space<vmem>> -> memref<1x128xi32, #tpu.memory_space<vmem>>
          %dma_wait3A_263 = tpu.memref_squeeze %dma_wait3A_262 : memref<1x128xi32, #tpu.memory_space<vmem>> -> memref<128xi32, #tpu.memory_space<vmem>>
          %dma_wait3A_264 = arith.constant 0 : i32
          %dma_wait3A_265 = arith.constant 0 : i32
          %dma_wait3A_266 = tpu.memref_slice %arg2[%dma_wait3A_260, %dma_wait3A_264, %dma_wait3A_265] : memref<2x100000x128xf32, #tpu.memory_space<hbm>> -> memref<1x100000x128xf32, #tpu.memory_space<hbm>>
          %dma_wait3A_267 = tpu.memref_squeeze %dma_wait3A_266 : memref<1x100000x128xf32, #tpu.memory_space<hbm>> -> memref<100000x128xf32, #tpu.memory_space<hbm>>
          %dma_wait3A_268 = arith.constant 0 : i32
          %dma_wait3A_269 = arith.constant 0 : i32
          %dma_wait3A_270 = tpu.memref_slice %dma_wait3A_267[%dma_wait3A_268, %dma_wait3A_269] : memref<100000x128xf32, #tpu.memory_space<hbm>> -> memref<100000x128xf32, #tpu.memory_space<hbm>>
          tpu.wait_indirect_dma semaphore(%arg13 : memref<!tpu.dma_semaphore, #tpu.memory_space<semaphore_mem>>) src(%dma_wait3A_270 : memref<100000x128xf32, #tpu.memory_space<hbm>>) dst(%arg10 : memref<128x128xf32, #tpu.memory_space<vmem>>)
          %dma_start3A_271 = arith.constant 0 : i32
          %dma_start3A_272 = tpu.memref_slice %arg8[%add3A_218, %dma_start3A_271] : memref<65x128xi32, #tpu.memory_space<vmem>> -> memref<1x128xi32, #tpu.memory_space<vmem>>
          %dma_start3A_273 = tpu.memref_squeeze %dma_start3A_272 : memref<1x128xi32, #tpu.memory_space<vmem>> -> memref<128xi32, #tpu.memory_space<vmem>>
          %dma_start3A_274 = arith.constant 0 : i32
          %dma_start3A_275 = arith.constant 0 : i32
          %dma_start3A_276 = tpu.memref_slice %arg14[%dma_start3A_274, %dma_start3A_275] : memref<8448x128xf32, #tpu.memory_space<vmem_shared>> -> memref<8448x128xf32, #tpu.memory_space<vmem_shared>>
          tpu.enqueue_indirect_dma source(%arg10 : memref<128x128xf32, #tpu.memory_space<vmem>>) target(%dma_start3A_276 : memref<8448x128xf32, #tpu.memory_space<vmem_shared>>) offsets(%dma_start3A_273 : memref<128xi32, #tpu.memory_space<vmem>>) semaphore(%arg12 : memref<!tpu.dma_semaphore, #tpu.memory_space<semaphore_mem>>) {add = true}
        } else {
        }
        %while3A_259 = arith.constant 0 : i32
        scf.yield %while3A_259 : i32
      }
      %ge3A_200 = arith.constant 1 : i32
      %ge3A_201 = arith.cmpi sge, %shift_right_arithmetic3A_184, %ge3A_200 : i32
      %convert_element_type3A = arith.extui %ge3A_201 : i1 to i32
      %cond3A = arith.constant 0 : i32
      %cond3A_202 = arith.cmpi ne, %convert_element_type3A, %cond3A : i32
      scf.if %cond3A_202 {
        %dma_wait3A = arith.constant 0 : i32
        %dma_wait3A_212 = tpu.memref_slice %arg8[%shift_right_arithmetic3A_175, %dma_wait3A] : memref<65x128xi32, #tpu.memory_space<vmem>> -> memref<1x128xi32, #tpu.memory_space<vmem>>
        %dma_wait3A_213 = tpu.memref_squeeze %dma_wait3A_212 : memref<1x128xi32, #tpu.memory_space<vmem>> -> memref<128xi32, #tpu.memory_space<vmem>>
        %dma_wait3A_214 = arith.constant 0 : i32
        %dma_wait3A_215 = arith.constant 0 : i32
        %dma_wait3A_216 = tpu.memref_slice %arg14[%dma_wait3A_214, %dma_wait3A_215] : memref<8448x128xf32, #tpu.memory_space<vmem_shared>> -> memref<8448x128xf32, #tpu.memory_space<vmem_shared>>
        tpu.wait_indirect_dma semaphore(%arg12 : memref<!tpu.dma_semaphore, #tpu.memory_space<semaphore_mem>>) src(%arg9 : memref<128x128xf32, #tpu.memory_space<vmem>>) dst(%dma_wait3A_216 : memref<8448x128xf32, #tpu.memory_space<vmem_shared>>)
      } else {
      }
      %ge3A_203 = arith.constant 2 : i32
      %ge3A_204 = arith.cmpi sge, %shift_right_arithmetic3A_184, %ge3A_203 : i32
      %convert_element_type3A_205 = arith.extui %ge3A_204 : i1 to i32
      %cond3A_206 = arith.constant 0 : i32
      %cond3A_207 = arith.cmpi ne, %convert_element_type3A_205, %cond3A_206 : i32
      scf.if %cond3A_207 {
        %dma_wait3A = arith.constant 0 : i32
        %dma_wait3A_212 = tpu.memref_slice %arg8[%shift_right_arithmetic3A_175, %dma_wait3A] : memref<65x128xi32, #tpu.memory_space<vmem>> -> memref<1x128xi32, #tpu.memory_space<vmem>>
        %dma_wait3A_213 = tpu.memref_squeeze %dma_wait3A_212 : memref<1x128xi32, #tpu.memory_space<vmem>> -> memref<128xi32, #tpu.memory_space<vmem>>
        %dma_wait3A_214 = arith.constant 0 : i32
        %dma_wait3A_215 = arith.constant 0 : i32
        %dma_wait3A_216 = tpu.memref_slice %arg14[%dma_wait3A_214, %dma_wait3A_215] : memref<8448x128xf32, #tpu.memory_space<vmem_shared>> -> memref<8448x128xf32, #tpu.memory_space<vmem_shared>>
        tpu.wait_indirect_dma semaphore(%arg12 : memref<!tpu.dma_semaphore, #tpu.memory_space<semaphore_mem>>) src(%arg10 : memref<128x128xf32, #tpu.memory_space<vmem>>) dst(%dma_wait3A_216 : memref<8448x128xf32, #tpu.memory_space<vmem_shared>>)
      } else {
      }
      "tpu.trace_stop"() : () -> ()
      "tpu.trace_start"() <{level = 10 : i32, message = "bar1"}> : () -> ()
      %barrier3A_208 = arith.constant 0 : index
      tpu.barrier barrier_id(%barrier3A_208)
      "tpu.trace_stop"() : () -> ()
      "tpu.trace_start"() <{level = 10 : i32, message = "copyout"}> : () -> ()
      %add3A_209 = arith.addi %add3A_163, %mul3A_0 : i32
      %run_scoped3A_210 = arith.constant 1 : i32
      "tpu.region"() ({
        %run_scoped3A_212 = tpu.sem_alloc : memref<!tpu.dma_semaphore, #tpu.memory_space<semaphore_mem>>
        %dma_start3A = arith.constant 0 : i32
        %dma_start3A_213 = arith.constant 0 : i32
        %dma_start3A_214 = tpu.memref_slice %arg5[%run_scoped3A_210, %dma_start3A, %dma_start3A_213] : memref<2x262144x128xf32, #tpu.memory_space<hbm>> -> memref<1x262144x128xf32, #tpu.memory_space<hbm>>
        %dma_start3A_215 = tpu.memref_squeeze %dma_start3A_214 : memref<1x262144x128xf32, #tpu.memory_space<hbm>> -> memref<262144x128xf32, #tpu.memory_space<hbm>>
        %dma_start3A_216 = arith.constant 0 : i32
        %dma_start3A_217 = tpu.memref_slice %dma_start3A_215[%add3A_209, %dma_start3A_216] : memref<262144x128xf32, #tpu.memory_space<hbm>> -> memref<512x128xf32, #tpu.memory_space<hbm>>
        %dma_start3A_218 = arith.constant 0 : i32
        %dma_start3A_219 = tpu.memref_slice %arg14[%mul3A_0, %dma_start3A_218] : memref<8448x128xf32, #tpu.memory_space<vmem_shared>> -> memref<512x128xf32, #tpu.memory_space<vmem_shared>>
        tpu.enqueue_dma source(%dma_start3A_219 : memref<512x128xf32, #tpu.memory_space<vmem_shared>>) target(%dma_start3A_217 : memref<512x128xf32, #tpu.memory_space<hbm>>) target_semaphore(%run_scoped3A_212 : memref<!tpu.dma_semaphore, #tpu.memory_space<semaphore_mem>>)
        %dma_wait3A = arith.constant 0 : i32
        %dma_wait3A_220 = arith.constant 0 : i32
        %dma_wait3A_221 = tpu.memref_slice %arg5[%run_scoped3A_210, %dma_wait3A, %dma_wait3A_220] : memref<2x262144x128xf32, #tpu.memory_space<hbm>> -> memref<1x262144x128xf32, #tpu.memory_space<hbm>>
        %dma_wait3A_222 = tpu.memref_squeeze %dma_wait3A_221 : memref<1x262144x128xf32, #tpu.memory_space<hbm>> -> memref<262144x128xf32, #tpu.memory_space<hbm>>
        %dma_wait3A_223 = arith.constant 0 : i32
        %dma_wait3A_224 = tpu.memref_slice %dma_wait3A_222[%add3A_209, %dma_wait3A_223] : memref<262144x128xf32, #tpu.memory_space<hbm>> -> memref<512x128xf32, #tpu.memory_space<hbm>>
        %dma_wait3A_225 = arith.constant 0 : i32
        %dma_wait3A_226 = tpu.memref_slice %arg14[%mul3A_0, %dma_wait3A_225] : memref<8448x128xf32, #tpu.memory_space<vmem_shared>> -> memref<512x128xf32, #tpu.memory_space<vmem_shared>>
        tpu.wait_dma2 semaphore(%run_scoped3A_212 : memref<!tpu.dma_semaphore, #tpu.memory_space<semaphore_mem>>) src(%dma_wait3A_226 : memref<512x128xf32, #tpu.memory_space<vmem_shared>>) dst(%dma_wait3A_224 : memref<512x128xf32, #tpu.memory_space<hbm>>)
        tpu.yield
      }) : () -> ()
      "tpu.trace_stop"() : () -> ()
      "tpu.trace_start"() <{level = 10 : i32, message = "zero"}> : () -> ()
      "tpu.region"() ({
        %run_scoped3A_212 = tpu.sem_alloc : memref<!tpu.dma_semaphore, #tpu.memory_space<semaphore_mem>>
        %dma_start3A = arith.constant 0 : i32
        %dma_start3A_213 = tpu.memref_slice %arg14[%mul3A_0, %dma_start3A] : memref<8448x128xf32, #tpu.memory_space<vmem_shared>> -> memref<512x128xf32, #tpu.memory_space<vmem_shared>>
        tpu.enqueue_dma source(%arg4 : memref<512x128xf32, #tpu.memory_space<hbm>>) target(%dma_start3A_213 : memref<512x128xf32, #tpu.memory_space<vmem_shared>>) target_semaphore(%run_scoped3A_212 : memref<!tpu.dma_semaphore, #tpu.memory_space<semaphore_mem>>)
        %dma_wait3A = arith.constant 0 : i32
        %dma_wait3A_214 = tpu.memref_slice %arg14[%mul3A_0, %dma_wait3A] : memref<8448x128xf32, #tpu.memory_space<vmem_shared>> -> memref<512x128xf32, #tpu.memory_space<vmem_shared>>
        tpu.wait_dma2 semaphore(%run_scoped3A_212 : memref<!tpu.dma_semaphore, #tpu.memory_space<semaphore_mem>>) src(%arg4 : memref<512x128xf32, #tpu.memory_space<hbm>>) dst(%dma_wait3A_214 : memref<512x128xf32, #tpu.memory_space<vmem_shared>>)
        tpu.yield
      }) : () -> ()
      "tpu.trace_stop"() : () -> ()
      "tpu.trace_start"() <{level = 10 : i32, message = "bar2"}> : () -> ()
      %barrier3A_211 = arith.constant 0 : index
      tpu.barrier barrier_id(%barrier3A_211)
      "tpu.trace_stop"() : () -> ()
    }
    %scan3A_155 = arith.constant 16 : i32
    "tpu.trace_stop"() : () -> ()
    return
  }
}

module attributes {stable_mosaic.version = 14 : i64} {
  func.func @_transpose_body(%arg0: i32, %arg1: i32, %arg2: memref<1x8192x128xf32, #tpu.memory_space<vmem>>, %arg3: memref<1x64x8192xf32, #tpu.memory_space<vmem>>) attributes {dimension_semantics = [#tpu.dimension_semantics<arbitrary>, #tpu.dimension_semantics<arbitrary>], iteration_bounds = array<i64: 2, 32>, scalar_prefetch = 0 : i64, scratch_operands = 0 : i64, tpu.core_type = #tpu.core_type<tc>, window_params = [{transform_indices = @transform_0, window_bounds = array<i64: 1, 8192, 128>}, {transform_indices = @transform_1, window_bounds = array<i64: 1, 64, 8192>}]} {
    %get3A = arith.constant 0 : index
    %get3A_0 = arith.constant 0 : index
    %get3A_1 = arith.constant 0 : index
    %get3A_2 = vector.load %arg2[%get3A, %get3A_0, %get3A_1] : memref<1x8192x128xf32, #tpu.memory_space<vmem>>, vector<1x8192x64xf32>
    %get3A_3 = vector.shape_cast %get3A_2 : vector<1x8192x64xf32> to vector<8192x64xf32>
    %transpose3A = tpu.transpose %get3A_3, [1, 0] : vector<8192x64xf32> -> vector<64x8192xf32>
    %swap3A = arith.constant 0 : index
    %swap3A_4 = arith.constant 0 : index
    %swap3A_5 = arith.constant 0 : index
    %swap3A_6 = vector.load %arg3[%swap3A, %swap3A_4, %swap3A_5] : memref<1x64x8192xf32, #tpu.memory_space<vmem>>, vector<1x64x8192xf32>
    %swap3A_7 = vector.shape_cast %swap3A_6 : vector<1x64x8192xf32> to vector<64x8192xf32>
    %swap3A_8 = vector.shape_cast %transpose3A : vector<64x8192xf32> to vector<1x64x8192xf32>
    tpu.vector_store %arg3[%swap3A, %swap3A_4, %swap3A_5], %swap3A_8 {strides = array<i32>} : memref<1x64x8192xf32, #tpu.memory_space<vmem>>, vector<1x64x8192xf32>,
    return
  }
  func.func @transform_0(%arg0: i32, %arg1: i32) -> (i32, i32, i32) {
    %c0_i32 = arith.constant 0 : i32
    %c0_i32_0 = arith.constant 0 : i32
    return %arg0, %arg1, %c0_i32 : i32, i32, i32
  }
  func.func @transform_1(%arg0: i32, %arg1: i32) -> (i32, i32, i32) {
    %c0_i32 = arith.constant 0 : i32
    %c0_i32_0 = arith.constant 0 : i32
    return %arg0, %c0_i32, %arg1 : i32, i32, i32
  }
}

module attributes {stable_mosaic.version = 14 : i64} {
  func.func @_pad_body(%arg0: i32, %arg1: i32, %arg2: memref<1x10000x64xf32, #tpu.memory_space<vmem>>, %arg3: memref<1x10000x128xf32, #tpu.memory_space<vmem>>) attributes {dimension_semantics = [#tpu.dimension_semantics<arbitrary>, #tpu.dimension_semantics<arbitrary>], iteration_bounds = array<i64: 2, 10>, scalar_prefetch = 0 : i64, scratch_operands = 0 : i64, tpu.core_type = #tpu.core_type<tc>, window_params = [{transform_indices = @transform_0, window_bounds = array<i64: 1, 10000, 64>}, {transform_indices = @transform_1, window_bounds = array<i64: 1, 10000, 128>}]} {
    %get3A = arith.constant 0 : index
    %get3A_0 = arith.constant 0 : index
    %get3A_1 = arith.constant 0 : index
    %get3A_2 = vector.load %arg2[%get3A, %get3A_0, %get3A_1] : memref<1x10000x64xf32, #tpu.memory_space<vmem>>, vector<1x10000x64xf32>
    %get3A_3 = vector.shape_cast %get3A_2 : vector<1x10000x64xf32> to vector<10000x64xf32>
    %swap3A = arith.constant 0 : index
    %swap3A_4 = arith.constant 0 : index
    %swap3A_5 = arith.constant 0 : index
    %swap3A_6 = vector.load %arg3[%swap3A, %swap3A_4, %swap3A_5] : memref<1x10000x128xf32, #tpu.memory_space<vmem>>, vector<1x10000x64xf32>
    %swap3A_7 = vector.shape_cast %swap3A_6 : vector<1x10000x64xf32> to vector<10000x64xf32>
    %swap3A_8 = vector.shape_cast %get3A_3 : vector<10000x64xf32> to vector<1x10000x64xf32>
    tpu.vector_store %arg3[%swap3A, %swap3A_4, %swap3A_5], %swap3A_8 {strides = array<i32>} : memref<1x10000x128xf32, #tpu.memory_space<vmem>>, vector<1x10000x64xf32>,
    %broadcast_in_dim3A = arith.constant 0.000000e+00 : f32
    %broadcast_in_dim3A_9 = vector.broadcast %broadcast_in_dim3A : f32 to vector<10000x64xf32>
    %swap3A_10 = arith.constant 0 : index
    %swap3A_11 = arith.constant 0 : index
    %swap3A_12 = arith.constant 64 : index
    %swap3A_13 = vector.load %arg3[%swap3A_10, %swap3A_11, %swap3A_12] : memref<1x10000x128xf32, #tpu.memory_space<vmem>>, vector<1x10000x64xf32>
    %swap3A_14 = vector.shape_cast %swap3A_13 : vector<1x10000x64xf32> to vector<10000x64xf32>
    %swap3A_15 = vector.shape_cast %broadcast_in_dim3A_9 : vector<10000x64xf32> to vector<1x10000x64xf32>
    tpu.vector_store %arg3[%swap3A_10, %swap3A_11, %swap3A_12], %swap3A_15 {strides = array<i32>} : memref<1x10000x128xf32, #tpu.memory_space<vmem>>, vector<1x10000x64xf32>,
    return
  }
  func.func @transform_0(%arg0: i32, %arg1: i32) -> (i32, i32, i32) {
    %c0_i32 = arith.constant 0 : i32
    %c0_i32_0 = arith.constant 0 : i32
    return %arg0, %arg1, %c0_i32 : i32, i32, i32
  }
  func.func @transform_1(%arg0: i32, %arg1: i32) -> (i32, i32, i32) {
    %c0_i32 = arith.constant 0 : i32
    %c0_i32_0 = arith.constant 0 : i32
    return %arg0, %arg1, %c0_i32 : i32, i32, i32
  }
}

</mosaic_0001>

<sc_bundles>
// kernel: kernel.5.cloned.1.call-start
scs
__scs_entry_jumppad:
0x0: {  	(pc) =	sbr.rel $0x88, $3  }
0x1: {  	(tag) =	ssettag $0x0;
	lr =	simm.s32 $0x1  }
0x2: {  	[smem:$0x3F9F] =	sst lr;
	_ =	strace $0xD0000000  }
0x3: {  	_ = 	snop  }
0x4: {  	_ = 	snop  }
0x5: {  	_ = 	snop  }
0x6: {  	_ = 	snop  }
0x7: {  	_ = 	snop  }
__scs_overlays_trampoline_lowered:
0x8: {  	[smem:$0x3FAE] =	sst s0  }
0x9: {  	[smem:$0x3FAF] =	sst s1  }
0xa: {  	[smem:$0x3FB0] =	sst s2  }
0xb: {  	[smem:$0x3FB1] =	sst s3  }
0xc: {  	[smem:$0x3FB2] =	sst s4  }
0xd: {  	[smem:$0x3FB3] =	sst s5  }
0xe: {  	[smem:$0x3FB4] =	sst s6  }
0xf: {  	[smem:$0x3FB5] =	sst s7  }
0x10: {  	[smem:$0x3FB6] =	sst s8  }
0x11: {  	[smem:$0x3FB7] =	sst s9;
	s0 =	simm.s32 @!p0 $0x0  }
0x12: {  	s1 =	sld [smem:$0x3F9D];
	s0 =	simm.s32 @p0 $0x1  }
0x13: {  	[smem:$0x3FB8] =	sst s0;
	s0 =	simm.s32 @!p1 $0x0  }
0x14: {  	s2 =	sld [smem:$0x3F9C];
	s0 =	simm.s32 @p1 $0x1  }
0x15: {  	[smem:$0x3FB9] =	sst s0;
	s0 =	simm.s32 @!p2 $0x0  }
0x16: {  	s3 =	sld [smem:$0x3FDB];
	s0 =	simm.s32 @p2 $0x1  }
0x17: {  	s4 =	simm.s32 $0x1BF5;
	[smem:$0x3FBB] =	sst s0  }
0x18: {  	s0 =	sld [smem:$0x3F9E];
	_ =	swait.ge [sflag:s4], $0x0  }
0x19: {  	s7 =	sld [smem:$0x3F9F]  }
0x1a: {  	s8 =	sadd.s32 $0xFFFFE003, lr  }
0x1b: {  	s9 =	sadd.s32 $0xFFFFFEF7, lr;
	s5 =	simm.s32 $0xFFFFFFFF;
	p2 =	slt.u32 s8, $0xFFFFF086  }
0x1c: {  	p1 =	slt.u32 s9, $0xF7A;
	s5 =	simm.s32 @!p2 $0x0  }
0x1d: {  	s5 =	simm.s32 @p1 $0x1;
	p0 =	seq.s32 s7, s2  }
0x1e: {  	s7 =	smul.u32 @!p0 $0xF7A, s2;
	p2 =	seq.s32 @!p0 s5, $0x0  }
0x1f: {  	s9 =	smul.u32 $0xF7A, s1;
	s8 =	simm.s32 @!p0 $0x1BF5;
	p2 =	por !p2, p0  }
0x20: {  	[sflag:s8] =	ssyncset.s32 @!p0 $0xFFFFF086;
	s6 =	sadd.s32 @!p0 s3, s7;
	s7 =	simm.s32 @!p0 $0x108  }
0x21: {  	s3 =	sadd.s32 s3, s9;
	s6 =	sadd.s32 @!p0 $0x88, s6;
	s7 =	simm.s32 @p2 $0x1082  }
0x22: {  	[simem:s7], [sflag:s8] =	dma.local @!p0 [hbm:s6], $0xF7A  }
0x23: {  	s9 =	sor.u32 $0xD0000000, s2;
	s6 =	simm.s32 $0x108;
	_ =	swait.ge @!p0 [sflag:s8], $0x0  }
0x24: {  	s3 =	sadd.s32 $0x88, s3;
	s6 =	simm.s32 @!p1 $0x1082;
	[sflag:s4] =	ssyncset.s32 $0xFFFFF086  }
0x25: {  	[simem:s6], [sflag:s4] =	dma.local [hbm:s3], $0xF7A  }
0x26: {  	[smem:$0x3F9F] =	sst s1;
	(tag) =	ssettag s2;
	_ =	strace s9  }
0x27: {  	s1 =	sld [smem:$0x3FAF]  }
0x28: {  	s2 =	sld [smem:$0x3FB0]  }
0x29: {  	s4 =	sld [smem:$0x3FB2]  }
0x2a: {  	p0 =	seq.s32 s5, $0x0;
	s5 =	sld [smem:$0x3FB3]  }
0x2b: {  	s6 =	sld [smem:$0x3FB4]  }
0x2c: {  	s7 =	sld [smem:$0x3FB5]  }
0x2d: {  	s3 =	simm.s32 $0x108;
	s8 =	sld [smem:$0x3FB6]  }
0x2e: {  	s3 =	simm.s32 @!p0 $0x1082;
	s9 =	sld [smem:$0x3FB7]  }
0x2f: {  	lr =	sadd.s32 s0, s3;
	s0 =	sld [smem:$0x3FAE]  }
0x30: {  	s3 =	sld [smem:$0x3FB1]  }
0x31: {  	[smem:$0x3FBA] =	sst s10  }
0x32: {  	s10 =	sld [smem:$0x3FB8];
	_ =	sdelay $0x3  }
0x33: {  	p0 =	seq.s32 s10, $0x1;
	s10 =	sld [smem:$0x3FBA];
	_ =	sdelay $0x3  }
0x34: {  	[smem:$0x3FBA] =	sst s10  }
0x35: {  	s10 =	sld [smem:$0x3FB9];
	_ =	sdelay $0x3  }
0x36: {  	p1 =	seq.s32 s10, $0x1;
	s10 =	sld [smem:$0x3FBA];
	_ =	sdelay $0x3  }
0x37: {  	[smem:$0x3FBA] =	sst s10  }
0x38: {  	s10 =	sld [smem:$0x3FBB]  }
0x39: {  	_ = 	snop;
	(pc) =	sbr.ind lr, $3  }
0x3a: {  	_ = 	snop  }
0x3b: {  	_ = 	snop  }
0x3c: {  	p2 =	seq.s32 s10, $0x1;
	s10 =	sld [smem:$0x3FBA]  }
0x3d: {  	_ =	shalt  }
0x3e: {  	_ =	shalt  }
0x3f: {  	_ =	shalt  }
0x40: {  	_ =	shalt  }
0x41: {  	_ =	shalt  }
0x42: {  	_ =	shalt  }
0x43: {  	_ =	shalt  }
0x44: {  	_ =	shalt  }
0x45: {  	_ =	shalt  }
0x46: {  	_ =	shalt  }
0x47: {  	_ =	shalt  }
0x48: {  	_ =	shalt  }
0x49: {  	_ =	shalt  }
0x4a: {  	_ =	shalt  }
0x4b: {  	_ =	shalt  }
0x4c: {  	_ =	shalt  }
0x4d: {  	_ =	shalt  }
0x4e: {  	_ =	shalt  }
0x4f: {  	_ =	shalt  }
0x50: {  	_ =	shalt  }
0x51: {  	_ =	shalt  }
0x52: {  	_ =	shalt  }
0x53: {  	_ =	shalt  }
0x54: {  	_ =	shalt  }
0x55: {  	_ =	shalt  }
0x56: {  	_ =	shalt  }
0x57: {  	_ =	shalt  }
0x58: {  	_ =	shalt  }
0x59: {  	_ =	shalt  }
0x5a: {  	_ =	shalt  }
0x5b: {  	_ =	shalt  }
0x5c: {  	_ =	shalt  }
0x5d: {  	_ =	shalt  }
0x5e: {  	_ =	shalt  }
0x5f: {  	_ =	shalt  }
0x60: {  	_ =	shalt  }
0x61: {  	_ =	shalt  }
0x62: {  	_ =	shalt  }
0x63: {  	_ =	shalt  }
0x64: {  	_ =	shalt  }
0x65: {  	_ =	shalt  }
0x66: {  	_ =	shalt  }
0x67: {  	_ =	shalt  }
0x68: {  	_ =	shalt  }
0x69: {  	_ =	shalt  }
0x6a: {  	_ =	shalt  }
0x6b: {  	_ =	shalt  }
0x6c: {  	_ =	shalt  }
0x6d: {  	_ =	shalt  }
0x6e: {  	_ =	shalt  }
0x6f: {  	_ =	shalt  }
0x70: {  	_ =	shalt  }
0x71: {  	_ =	shalt  }
0x72: {  	_ =	shalt  }
0x73: {  	_ =	shalt  }
0x74: {  	_ =	shalt  }
0x75: {  	_ =	shalt  }
0x76: {  	_ =	shalt  }
0x77: {  	_ =	shalt  }
0x78: {  	_ =	shalt  }
0x79: {  	_ =	shalt  }
0x7a: {  	_ =	shalt  }
0x7b: {  	_ =	shalt  }
0x7c: {  	_ =	shalt  }
0x7d: {  	_ =	shalt  }
0x7e: {  	_ =	shalt  }
0x7f: {  	_ =	shalt  }
0x80: {  	_ =	shalt  }
0x81: {  	_ =	shalt  }
0x82: {  	_ =	shalt  }
0x83: {  	_ =	shalt  }
0x84: {  	_ =	shalt  }
0x85: {  	_ =	shalt  }
0x86: {  	_ =	shalt  }
0x87: {  	_ =	shalt  }
.Lfunc_end0:
.L_simem_size_0:
called_computation.1_lowered:
.L_overlay_start_0:
0x88: {  	s2 =	sld [smem:$0x3FD9]  }
0x89: {  	s3 =	sld [smem:$0x3FFE];
	_ =	sdelay $0x1  }
0x8a: {  	s1 =	srdreg.scid  }
0x8b: {  	s0 =	sand.u32 $0x1, s1  }
0x8c: {  	s17 =	sshll.u32 s0, $0xA;
	s2 =	sadd.s32 s3, s2  }
0x8d: {  	s2 =	sadd.s32 s2, s17  }
0x8e: {  	[smem:$0x3FC6] =	sst s2  }
0x8f: {  	_ = 	snop  }
0x90: {  	s2 =	sld [smem:$0x3FD0];
	(tm) =	ssettm $0x1  }
0x91: {  	s18 =	sld [smem:$0x3FFB];
	_ =	sdelay $0x3  }
0x92: {  	_ =	strace s18  }
0x93: {  	s3 =	sld [smem:$0x3FFC];
	_ =	sdelay $0x3  }
0x94: {  	_ =	strace s3  }
0x95: {  	s3 =	sld [smem:$0x3FFD];
	_ =	sdelay $0x3  }
0x96: {  	_ =	strace s3  }
0x97: {  	_ =	strace $0x8FFFFFFF  }
0x98: {  	s19 =	sld [smem:$0x3FDB];
	_ =	sdelay $0x1  }
0x99: {  	s4 =	simm.s32 $_scs_section_size  }
0x9a: {  	s5 =	simm.s32 $_size__tile_overlayer_lowered;
	s6 =	simm.s32 $_tile_overlayer_lowered  }
0x9b: {  	s22 =	simm.s32 $0x1BFF;
	s21 =	sshll.u32 s6, $0x1;
	s3 =	sadd.s32 s4, s19  }
0x9c: {  	s7 =	simm.s32 $0x0;
	s20 =	sshll.u32 s5, $0x1;
	s5 =	sadd.s32 s21, s3  }
0x9d: {  	[timem:s7], [sflag:s22] =	dma.local [hbm:s5], s20  }
0x9e: {  	_ =	swait.ge [sflag:s22], s20  }
0x9f: {  	s4 =	ssub.s32 $0x0, s20;
	[sflag:s22] =	ssyncset.done $0x0  }
0xa0: {  	[sflag:s22] =	ssyncadd.s32 s4;
	_ =	sdelay $0x1  }
0xa1: {  	s23 =	simm.s32 $0x1B8B  }
0xa2: {  	_ =	swait.ge [sflag:s23], $0x1  }
0xa3: {  	[sflag:s23] =	ssyncset.done $0x0  }
0xa4: {  	s25 =	simm.s32 $0x1B8E;
	s24 =	sld [smem:$0x3FFE];
	[sflag:s23] =	ssyncadd.s32 $0xFFFFFFFF  }
0xa5: {  	s26 =	simm.s32 $execute0_lowered;
	[smem:$0x3FD2] =	sst s25  }
0xa6: {  	s5 =	sshll.u32 s26, $0x1;
	_ =	strace $0x80000046;
	[dreg:$0x1] =	wrdreg $0xFFFFFFFF  }
0xa7: {  	s28 =	simm.s32 $_size_execute0_lowered;
	s3 =	sadd.s32 s3, s5;
	[dreg:$0x0] =	wrdreg $0x0  }
0xa8: {  	s5 =	sshll.u32 s28, $0x1;
	[dreg:$0x2] =	wrdreg s3  }
0xa9: {  	[dreg:$0x3] =	wrdreg s5  }
0xaa: {  	[dreg:$0x4] =	wrdreg $0xC0  }
0xab: {  	_ =	task [dreg:s7], $0x5FFFF  }
0xac: {  	[dreg:$0x1] =	wrdreg $0xFFFFFFFF  }
0xad: {  	[dreg:$0x0] =	wrdreg $0x60  }
0xae: {  	[dreg:$0x2] =	wrdreg s24  }
0xaf: {  	[dreg:$0x3] =	wrdreg s2  }
0xb0: {  	[dreg:$0x4] =	wrdreg $0xE1000  }
0xb1: {  	[dreg:$0x5] =	wrdreg $0x9  }
0xb2: {  	_ =	task.clear_ibuf [dreg:s7], $0x6FFFF;
	_ =	strace $0x90000046  }
0xb3: {  	s29 =	simm.s32 $0x9;
	_ =	strace $0x8000005A  }
0xb4: {  	_ =	swait.ge [sflag:s29], $0x1  }
0xb5: {  	[sflag:s29] =	ssyncadd.s32 $0xFFFFFFFF  }
0xb6: {  	_ =	strace $0x9000005A  }
0xb7: {  	_ =	sfence  }
0xb8: {  	s30 =	sld [smem:$0x0];
	_ =	sdelay $0x2  }
0xb9: {  	s31 =	sshll.u32 s1, $0xD;
	s1 =	sshrl.u32 s1, $0x2  }
0xba: {  	s3 =	sand.u32 $0x4000, s31;
	s1 =	sadd.s32 s1, s30  }
0xbb: {  	s0 =	sor.u32 s3, s0;
	s1 =	sshll.u32 s1, $0x11  }
0xbc: {  	s0 =	sor.u32 s1, s0  }
0xbd: {  	s0 =	sadd.s32 $0x8F2B, s0  }
0xbe: {  	[sflag:s0] =	ssyncadd.remote.s32 $0x1  }
0xbf: {  	_ =	sfence.sel $0xFFFF  }
0xc0: {  	[dreg:$0x0] =	wrdreg $0xFFFFFFFF;
	(pc) =	sbr.abs _section_cstart, $3  }
0xc1: {  	[dreg:$0x1] =	wrdreg $0xFFFFFFFF  }
0xc2: {  	_ =	task.clear_ibuf [dreg:s7], $0x2FFFF;
	_ =	strace $0x9FFFFFFF  }
0xc3: {  	(tm) =	ssettm $0x7FFFFFFF  }
tec
execute0_lowered:
.L_overlay_start_1:
0x0: {  	(tag) =	ssettag $0x1  }
0x1: {  	s0 =	rddreg [dreg:$0x0]  }
0x2: {  	s2 =	rddreg [dreg:$0x1]  }
0x3: {  	s1 =	rddreg [dreg:$0x2];
	s3 =	simm.s32 $0x0  }
0x4: {  	s24 =	srdreg.scid;
	s10 =	stileid.u32;
	s17 =	simm.s32 $0x3  }
0x5: {  	s18 =	simm.s32 $0x80;
	s20 =	simm.s32 $0xE080;
	s21 =	simm.s32 $0x3C80  }
0x6: {  	s22 =	simm.s32 $0x1880;
	s23 =	simm.s32 $0x1;
	[smem:$0x7FF] =	sst s3  }
0x7: {  	s3 =	sand.u32 $0x1, s24;
	s5 =	sshll.u32 s10, $0xD;
	s4 =	sadd.s32 $0xA00, s0  }
0x8: {  	s25 =	sshll.u32 s10, $0x10;
	s26 =	sshll.u32 s10, $0x6;
	s9 =	smul.u32 $0x620, s10  }
0x9: {  	s28 =	smul.u32 $0x1880, s10;
	s30 =	sshll.u32 s10, $0x4;
	s12 =	sadd.s32 $0x187400, s0  }
0xa: {  	s10 =	smul.u32 $0x1FD, s10;
	s13 =	sadd.s32 $0x70FE00, s0;
	s24 =	simm.s32 $0x6080  }
0xb: {  	_ =	strace $0x80000047;
	s6 =	sshll.u32 s3, $0x15;
	s7 =	ssub.s32 $0x2, s3  }
0xc: {  	s3 =	sshll.u32 s3, $0x11;
	s16 =	sadd.s32 s25, s1;
	s25 =	simm.s32 $0x0  }
0xd: {  	s5 =	sor.u32 s6, s5;
	s8 =	sshrl.u32 s7, $0x1;
	s6 =	sadd.s32 $0x30DE00, s0  }
.Ltmp0:
0xe: {  	[dreg:$0x4] =	wrdreg s28;
	s29 =	sadd.s32 s2, s9;
	(pc) =	sbr.rel .LBB2_1-.Ltmp0, $4  }
0xf: {  	s19 =	sadd.s32 $0x20000, s3;
	s2 =	sor.u32 $0x2000, s30;
	s16 =	sshrl.u32 s16, $0x3  }
0x10: {  	s14 =	ssub.s32 s7, s8;
	[dreg:$0x5] =	wrdreg s29;
	s8 =	sadd.s32 $0x10, s29  }
0x11: {  	v1 =	vlaneseq.u32;
	v4 =	vimm.s32 $0x0;
	s11 =	sadd.s32 s5, s0;
	[dreg:$0x6] =	wrdreg s8;
	s31 =	smax.u32 s14, $0x1  }
0x12: {  	v0 =	vmov s3;
	s7 =	sor.u32 $0x1C03, s26;
	v2 =	vmov s19;
	v3 =	vor.u32 s2, v1;
	s15 =	sadd.s32 $0x30FE00, s11;
	[dreg:$0x7] =	wrdreg s31  }
.LBB2_25:
0x13: {  	s25 =	sadd.s32 $0x1, s25;
	s0 =	rddreg [dreg:$0x7]  }
0x14: {  	p0 =	sne.s32 s25, s0  }
.Ltmp1:
0x15: {  	_ = 	snop;
	(pc) =	sbr.rel @!p0 .LBB2_26-.Ltmp1, $2  }
0x16: {  	_ =	sdelay $0x2  }
0x17: {  	_ =	strace $0x90000054  }
.LBB2_1:
0x18: {  	[spmem:s16], [sflag:s7] =	dma.local [hbm:s6], $0x2000  }
0x19: {  	_ =	swait.ge [sflag:s17], $0x2000  }
0x1a: {  	[sflag:s17] =	ssyncset.done $0x0  }
0x1b: {  	[sflag:s17] =	ssyncadd.s32 $0xFFFFE000  }
0x1c: {  	[bflag:$0x0] =	sbarrier.arrive $0xFFFF  }
0x1d: {  	s0 =	simm.s32 $0x0;
	s3 =	simm.s32 $0x100;
	s2 =	rddreg [dreg:$0x5]  }
0x1e: {  	[tilespmem:s0], [sflag:$0x3] =	stream.strided.gather [hbm4b:s2+s18], $0x1880, s3, s18, $0x38;
	[tilespmem:$0x1E900] =	vst v63  }
0x1f: {  	_ =	swait.ge [sflag:s17], $0x1880  }
0x20: {  	[sflag:s17] =	ssyncset.done $0x0  }
0x21: {  	[sflag:s17] =	ssyncadd.s32 $0xFFFFE780  }
0x22: {  	_ =	strace $0x80000048;
	[tilespmem:$0xE080] =	vst v4  }
0x23: {  	[tilespmem:$0xE090] =	vst v4  }
0x24: {  	s2 =	simm.s32 $0x0;
	s0 =	simm.s32 $0x40;
	[tilespmem:$0xE0A0] =	vst v4  }
.LBB2_2:
0x25: {  	p0 =	sne.s32 s0, $0x61C0;
	v5 =	vld [tilespmem:s2+$0x0];
	_ =	sdelay $0x4  }
0x26: {  	vm0 =	vge.s32 v5, v0;
	vm1 =	vlt.s32 v5, v2;
	v5 =	vsub.s32 v5, v0  }
0x27: {  	vm0 =	vmand vm0, vm1;
	v5 =	vshra.s32 v5, $0xD  }
0x28: {  	v5 =	vnsel vm0, $0x0, v5  }
0x29: {  	(xrf1) =	vunique.msk.u32 vm0, v5;
	_ =	sdelay $0xd  }
0x2a: {  	_, v6, vm1 =	vpop (xrf1)  }
0x2b: {  	vm0 =	vmand vm0, vm1;
	_ =	sdelay $0x1  }
.Ltmp2:
0x2c: {  	(pc) =	sbr.rel @p0 .LBB2_2-.Ltmp2, $3  }
0x2d: {  	_ =	sdelay $0x1  }
0x2e: {  	v6 =	vadd.s32 $0x1, v6  }
0x2f: {  	s2 =	sshra.s32 s0, $0x2;
	s0 =	sadd.s32 $0x40, s0;
	[tilespmem:v5+s20+$0x0] =	vst.idx.add.s32.msk vm0, v6  }
0x30: {  	v5 =	vld [tilespmem:s2+$0x0];
	_ =	sdelay $0x4  }
0x31: {  	vm0 =	vge.s32 v5, v0;
	vm1 =	vlt.s32 v5, v2;
	v5 =	vsub.s32 v5, v0  }
0x32: {  	vm0 =	vmand vm0, vm1;
	v5 =	vshra.s32 v5, $0xD  }
0x33: {  	v5 =	vnsel vm0, $0x0, v5  }
0x34: {  	(xrf1) =	vunique.msk.u32 vm0, v5;
	_ =	sdelay $0xd  }
0x35: {  	_, v6, vm15 =	vpop (xrf1)  }
0x36: {  	vm0 =	vmand vm0, vm15;
	_ =	sdelay $0x4  }
0x37: {  	v6 =	vadd.s32 $0x1, v6  }
0x38: {  	[tilespmem:v5+s20+$0x0] =	vst.idx.add.s32.msk vm0, v6  }
0x39: {  	_ =	strace $0x90000048  }
0x3a: {  	v5 =	vld [tilespmem:$0xE080]  }
0x3b: {  	v7 =	vld [tilespmem:$0xE090];
	_ =	sdelay $0x3  }
0x3c: {  	v5 =	vadd.s32 $0x7F, v5  }
0x3d: {  	v6 =	vand.u32 $0xFFFFFF80, v5;
	v5 =	vadd.s32 $0x7F, v7  }
0x3e: {  	v5 =	vand.u32 $0xFFFFFF80, v5;
	(xrf0) =	vadd.scan.msk.s32 $0xffff, v6  }
0x3f: {  	(xrf0) =	vadd.scan.msk.s32 $0xffff, v5;
	_ =	sdelay $0x4  }
0x40: {  	v7, _, _ =	vpop (xrf0)  }
0x41: {  	s0 =	simm.s32 $0x0;
	v8, _, _ =	vpop (xrf0);
	v9 =	vbroadcast v7, $0xF  }
0x42: {  	s31 =	simm.s32 $0x0;
	s0 =	sand.u32 $0x70, s0;
	v5 =	vsub.s32 v8, v5  }
0x43: {  	s2 =	sand.u32 $0xFFFFFF80, s31;
	v8 =	vor.u32 s0, v1;
	v5 =	vadd.s32 v9, v5  }
0x44: {  	[tilespmem:$0xE090] =	vst v5;
	v5 =	vor.u32 s2, v8  }
0x45: {  	v7 =	vsub.s32 v7, v6  }
0x46: {  	s3 =	sadd.s32 s10, s2;
	[tilespmem:$0xE080] =	vst v7  }
0x47: {  	s0 =	simm.s32 $0x1;
	s2 =	simm.s32 $0x10;
	_ =	strace $0x80000049  }
.LBB2_4:
0x48: {  	s11 =	sand.u32 $0x70, s2;
	s14 =	sshll.u32 s0, $0x4;
	v9 =	vadd.s32 s3, v8;
	p0 =	sne.s32 s0, $0x207  }
.Ltmp3:
0x49: {  	s0 =	sadd.s32 $0x1, s0;
	v8 =	vor.u32 s11, v1;
	s3 =	sand.u32 $0xFFFFFF80, s14;
	[tilespmem:v5+s21+$0x0] =	vst.idx.msk $0xffff, v3;
	v9 =	vand.u32 $0x1FFF, v9;
	(pc) =	sbr.rel @p0 .LBB2_4-.Ltmp3, $2  }
0x4a: {  	[tilespmem:v5+s22+$0x0] =	vst.idx.msk $0xffff, v9;
	v5 =	vor.u32 s3, v8;
	_ =	sdelay $0x2  }
0x4b: {  	s2 =	sadd.s32 $0x10, s2;
	s3 =	sadd.s32 s10, s3  }
0x4c: {  	_ =	sdelay $0x2  }
0x4d: {  	v8 =	vadd.s32 s3, v8  }
0x4e: {  	[tilespmem:v5+s21+$0x0] =	vst.idx.msk $0xffff, v3;
	v8 =	vand.u32 $0x1FFF, v8  }
0x4f: {  	[tilespmem:v5+s22+$0x0] =	vst.idx.msk $0xffff, v8  }
0x50: {  	_ =	strace $0x90000049  }
0x51: {  	s0 =	simm.s32 $0x0;
	_ =	strace $0x8000004A  }
0x52: {  	v8 =	vld [tilespmem:s0+$0x0];
	_ =	sdelay $0x4  }
0x53: {  	vm0 =	vge.s32 v8, v0;
	vm1 =	vlt.s32 v8, v2;
	v5 =	vsub.s32 v8, v0  }
0x54: {  	vm0 =	vmand vm0, vm1;
	v5 =	vshra.s32 v5, $0xD  }
0x55: {  	v9 =	vnsel vm0, $0x0, v5  }
0x56: {  	(xrf1) =	vunique.msk.u32 vm0, v9;
	_ =	sdelay $0x9  }
0x57: {  	v5 =	vld.idx.msk [tilespmem:v9+s20+$0x0], vm0;
	_ =	sdelay $0x3  }
0x58: {  	_, v10, vm15 =	vpop (xrf1)  }
0x59: {  	v11 =	vadd.s32 v5, v10  }
0x5a: {  	vm1 =	vmand vm0, vm15;
	_ =	sdelay $0x1  }
0x5b: {  	s26 =	rddreg [dreg:$0x4]  }
0x5c: {  	v5 =	vor.u32 s26, v1  }
0x5d: {  	v8 =	vand.u32 $0x1FFF, v8;
	[tilespmem:v11+s22+$0x0] =	vst.idx.msk vm0, v5  }
0x5e: {  	[tilespmem:v11+s21+$0x0] =	vst.idx.msk vm0, v8;
	v8 =	vadd.s32 $0x1, v10  }
0x5f: {  	s31 =	simm.s32 $0x10;
	[tilespmem:v9+s20+$0x0] =	vst.idx.add.s32.msk vm1, v8  }
0x60: {  	s0 =	simm.s32 $0x80;
	v8 =	vld [tilespmem:s31+$0x0]  }
.LBB2_6:
0x61: {  	p0 =	sne.s32 s0, $0x61C0;
	_ =	sdelay $0x3  }
0x62: {  	vm0 =	vge.s32 v8, v0;
	vm1 =	vlt.s32 v8, v2;
	v9 =	vsub.s32 v8, v0  }
0x63: {  	vm0 =	vmand vm0, vm1;
	v9 =	vshra.s32 v9, $0xD  }
0x64: {  	v9 =	vnsel vm0, $0x0, v9  }
0x65: {  	(xrf1) =	vunique.msk.u32 vm0, v9;
	_ =	sdelay $0x8  }
0x66: {  	v10 =	vld.idx.msk [tilespmem:v9+s20+$0x0], vm0;
	_ =	sdelay $0x4  }
0x67: {  	_, v11, vm1 =	vpop (xrf1)  }
0x68: {  	v10 =	vadd.s32 v10, v11  }
0x69: {  	vm1 =	vmand vm0, vm1;
	_ =	sdelay $0x1  }
0x6a: {  	s26 =	sadd.s32 $0x10, s26  }
.Ltmp4:
0x6b: {  	v12 =	vor.u32 s26, v1;
	(pc) =	sbr.rel @p0 .LBB2_6-.Ltmp4, $4  }
0x6c: {  	v8 =	vand.u32 $0x1FFF, v8;
	[tilespmem:v10+s22+$0x0] =	vst.idx.msk vm0, v12  }
0x6d: {  	[tilespmem:v10+s21+$0x0] =	vst.idx.msk vm0, v8;
	v8 =	vadd.s32 $0x1, v11  }
0x6e: {  	s2 =	sshra.s32 s0, $0x2;
	[tilespmem:v9+s20+$0x0] =	vst.idx.add.s32.msk vm1, v8  }
0x6f: {  	s0 =	sadd.s32 $0x40, s0;
	v8 =	vld [tilespmem:s2+$0x0]  }
0x70: {  	_ =	sdelay $0x3  }
0x71: {  	vm0 =	vge.s32 v8, v0;
	vm1 =	vlt.s32 v8, v2;
	v9 =	vsub.s32 v8, v0  }
0x72: {  	vm0 =	vmand vm0, vm1;
	v9 =	vshra.s32 v9, $0xD  }
0x73: {  	v9 =	vnsel vm0, $0x0, v9  }
0x74: {  	(xrf1) =	vunique.msk.u32 vm0, v9;
	_ =	sdelay $0x9  }
0x75: {  	v10 =	vld.idx.msk [tilespmem:v9+s20+$0x0], vm0;
	_ =	sdelay $0x3  }
0x76: {  	_, v11, vm15 =	vpop (xrf1)  }
0x77: {  	v10 =	vadd.s32 v10, v11  }
0x78: {  	vm1 =	vmand vm0, vm15;
	_ =	sdelay $0x1  }
0x79: {  	s0 =	sadd.s32 $0x10, s26  }
0x7a: {  	v12 =	vor.u32 s0, v1  }
.Ltmp5:
0x7b: {  	v8 =	vand.u32 $0x1FFF, v8;
	[tilespmem:v10+s22+$0x0] =	vst.idx.msk vm0, v12;
	(pc) =	sbr.rel .LBB2_8-.Ltmp5, $4  }
0x7c: {  	[tilespmem:v10+s21+$0x0] =	vst.idx.msk vm0, v8;
	v8 =	vadd.s32 $0x1, v11  }
0x7d: {  	[tilespmem:v9+s20+$0x0] =	vst.idx.add.s32.msk vm1, v8  }
0x7e: {  	_ =	strace $0x9000004A  }
0x7f: {  	s26 =	simm.s32 $0x0;
	_ =	strace $0x8000004B  }
.LBB2_11:
0x80: {  	[sflag:s14] =	ssyncadd.s32 @!p0 $0xFFFFC000  }
0x81: {  	[spmem:s1] =	stream.indirect.scatter.add.f32 @!p0 [tilespmem:s11], [sflag:$0x1], $0x80, s30, s19, $0x2000b8;
	[tilespmem:$0x1E900] =	vst v63  }
.LBB2_12:
0x82: {  	p0 =	slt.s32 s28, $0x1  }
0x83: {  	s0 =	simm.s32 @!p0 $0x1  }
0x84: {  	p1 =	seq.s32 @!p0 s28, $0x1;
	_ =	swait.ge @!p0 [sflag:s0], $0x4000  }
0x85: {  	p1 =	por p1, p0;
	[sflag:s0] =	ssyncset.done @!p0 $0x0  }
0x86: {  	[sflag:s0] =	ssyncadd.s32 @!p0 $0xFFFFC000;
	s0 =	simm.s32 @!p1 $0x1  }
0x87: {  	_ =	swait.ge @!p1 [sflag:s0], $0x4000  }
0x88: {  	[sflag:s0] =	ssyncset.done @!p1 $0x0  }
0x89: {  	[sflag:s0] =	ssyncadd.s32 @!p1 $0xFFFFC000  }
0x8a: {  	_ =	strace $0x9000004C  }
0x8b: {  	_ =	strace $0x8000004D  }
0x8c: {  	[bflag:$0x0] =	sbarrier.arrive $0xFFFF  }
0x8d: {  	s31 =	sshll.u32 s26, $0x11;
	_ =	strace $0x9000004D  }
0x8e: {  	s0 =	sadd.s32 s15, s31;
	_ =	strace $0x8000004E  }
0x8f: {  	[hbm:s0], [sflag:s7] =	dma.local [spmem:s16], $0x2000  }
0x90: {  	_ =	swait.ge [sflag:s17], $0x2000  }
0x91: {  	[sflag:s17] =	ssyncset.done $0x0  }
0x92: {  	[sflag:s17] =	ssyncadd.s32 $0xFFFFE000  }
0x93: {  	_ =	strace $0x9000004E  }
0x94: {  	_ =	strace $0x8000004F  }
0x95: {  	[spmem:s16], [sflag:s7] =	dma.local [hbm:s6], $0x2000  }
0x96: {  	s26 =	sadd.s32 $0x1, s26;
	_ =	swait.ge [sflag:s17], $0x2000  }
0x97: {  	p0 =	sne.s32 s26, $0x10;
	[sflag:s17] =	ssyncset.done $0x0  }
.Ltmp6:
0x98: {  	[sflag:s17] =	ssyncadd.s32 $0xFFFFE000;
	(pc) =	sbr.rel @!p0 .LBB2_13-.Ltmp6, $4  }
0x99: {  	_ =	strace $0x9000004F  }
0x9a: {  	_ =	strace $0x80000050  }
0x9b: {  	[bflag:$0x0] =	sbarrier.arrive $0xFFFF  }
0x9c: {  	_ =	strace $0x90000050  }
.LBB2_8:
0x9d: {  	v8 =	vmov s26  }
0x9e: {  	vm0 =	veq.s32 v8, v1  }
0x9f: {  	v8 =	vnsel vm0, $0x0, v7  }
0xa0: {  	(xrf0) =	vadd.scan.msk.s32 $0xffff, v8;
	v8 =	vnsel vm0, $0x0, v6  }
0xa1: {  	(xrf0) =	vadd.scan.msk.s32 $0xffff, v8;
	_ =	sdelay $0x4  }
0xa2: {  	v8, _, _ =	vpop (xrf0)  }
0xa3: {  	(v2sf) =	vpush v8, $0xF;
	v8, _, _ =	vpop (xrf0)  }
0xa4: {  	(v2sf) =	vpush v8, $0xF;
	_ =	sdelay $0xd  }
0xa5: {  	s0 =	spop (v2sf)  }
0xa6: {  	s2 =	spop (v2sf)  }
0xa7: {  	s28 =	sshra.s32 s2, $0x7  }
0xa8: {  	s2 =	sadd.s32 $0x1, s28  }
0xa9: {  	s31 =	sshra.s32 s2, $0x1  }
0xaa: {  	p0 =	slt.s32 s31, $0x1  }
0xab: {  	_ =	strace $0x8000004C;
	s2 =	sand.u32 @!p0 $0xFFFFFF80, s0  }
0xac: {  	p1 =	sgt.s32 @!p0 s28, $0x1;
	s11 =	simm.s32 @!p0 $0x80;
	s14 =	simm.s32 @!p0 $0x6080  }
0xad: {  	s0 =	sshra.s32 s0, $0x7;
	s3 =	sadd.s32 @!p0 $0x1880, s2;
	p2 =	por !p1, p0  }
0xae: {  	[tilespmem:s14], [sflag:$0x2] =	stream.indirect.gather @!p0 [hbm4b:s4+s11], $0x80, s3, s11, $0x2000b8;
	[tilespmem:$0x1E900] =	vst v63  }
0xaf: {  	s3 =	sshll.u32 @!p2 s0, $0x9  }
0xb0: {  	s3 =	sadd.s32 @!p2 $0x200, s3  }
0xb1: {  	s3 =	sshra.s32 @!p2 s3, $0x2  }
0xb2: {  	s14 =	simm.s32 @!p2 $0x80;
	s19 =	simm.s32 @!p2 $0xA080;
	s11 =	sadd.s32 @!p2 $0x1880, s3  }
0xb3: {  	[tilespmem:s19], [sflag:$0x2] =	stream.indirect.gather @!p2 [hbm4b:s4+s14], $0x80, s11, s14, $0x2000b8;
	[tilespmem:$0x1E900] =	vst v63  }
0xb4: {  	s11 =	simm.s32 @!p2 $0x2  }
0xb5: {  	_ =	swait.ge @!p2 [sflag:s11], $0x4000  }
0xb6: {  	[sflag:s11] =	ssyncset.done @!p2 $0x0  }
0xb7: {  	s29 =	sadd.s32 @!p2 $0x3C80, s2;
	s30 =	simm.s32 @!p2 $0x6080;
	[sflag:s11] =	ssyncadd.s32 @!p2 $0xFFFFC000  }
0xb8: {  	[spmem:s1] =	stream.indirect.scatter.add.f32 @!p2 [tilespmem:s30], [sflag:$0x1], $0x80, s29, s14, $0x2000b8;
	[tilespmem:$0x1E900] =	vst v63  }
0xb9: {  	_ =	swait.ge @!p2 [sflag:s11], $0x4000  }
0xba: {  	[sflag:s11] =	ssyncset.done @!p2 $0x0  }
0xbb: {  	p1 =	por p1, p0;
	s3 =	sadd.s32 @!p2 $0x3C80, s3;
	[sflag:s11] =	ssyncadd.s32 @!p2 $0xFFFFC000  }
0xbc: {  	[spmem:s1] =	stream.indirect.scatter.add.f32 @!p2 [tilespmem:s19], [sflag:$0x1], $0x80, s3, s14, $0x2000b8;
	[tilespmem:$0x1E900] =	vst v63  }
0xbd: {  	s3 =	simm.s32 @!p1 $0x2  }
0xbe: {  	_ =	swait.ge @!p1 [sflag:s3], $0x4000  }
0xbf: {  	s2 =	sadd.s32 @!p1 $0x3C80, s2;
	[sflag:s3] =	ssyncset.done @!p1 $0x0  }
0xc0: {  	s11 =	simm.s32 @!p1 $0x6080;
	[sflag:s3] =	ssyncadd.s32 @!p1 $0xFFFFC000;
	s3 =	simm.s32 @!p1 $0x80  }
0xc1: {  	[spmem:s1] =	stream.indirect.scatter.add.f32 @!p1 [tilespmem:s11], [sflag:$0x1], $0x80, s2, s3, $0x2000b8;
	[tilespmem:$0x1E900] =	vst v63  }
0xc2: {  	p1 =	seq.s32 @!p0 s31, $0x1  }
0xc3: {  	p0 =	por p0, p1  }
.Ltmp7:
0xc4: {  	_ = 	snop;
	(pc) =	sbr.rel @p0 .LBB2_12-.Ltmp7, $1  }
0xc5: {  	_ =	sdelay $0x3  }
0xc6: {  	s0 =	sshll.u32 s0, $0x9  }
0xc7: {  	s29 =	sadd.s32 $0xFFFFFFFF, s28;
	_ =	swait.ge [sflag:s23], $0x4000;
	s0 =	sshra.s32 s0, $0x2  }
0xc8: {  	p0 =	sle.s32 s29, $0x2;
	[sflag:s23] =	ssyncset.done $0x0;
	s2 =	sadd.s32 $0x1A00, s0  }
0xc9: {  	[sflag:s23] =	ssyncadd.s32 $0xFFFFC000;
	s11 =	simm.s32 @p0 $0x2;
	s3 =	sadd.s32 $0xFFFFFF80, s2  }
0xca: {  	[tilespmem:s24], [sflag:$0x2] =	stream.indirect.gather [hbm4b:s4+s18], $0x80, s3, s18, $0x2000b8;
	[tilespmem:$0x1E900] =	vst v63  }
0xcb: {  	s30 =	sadd.s32 $0x3E00, s0;
	_ =	swait.ge @p0 [sflag:s11], $0x4000  }
0xcc: {  	s0 =	simm.s32 @p0 $0x6080;
	s14 =	simm.s32 @p0 $0x80;
	[sflag:s11] =	ssyncset.done @p0 $0x0  }
0xcd: {  	s9 =	simm.s32 @!p0 $0x1;
	s3 =	sadd.s32 @p0 $0xFFFFFF80, s30;
	[sflag:s11] =	ssyncadd.s32 @p0 $0xFFFFC000  }
0xce: {  	[spmem:s1] =	stream.indirect.scatter.add.f32 @p0 [tilespmem:s0], [sflag:$0x1], $0x80, s3, s14, $0x2000b8;
	[tilespmem:$0x1E900] =	vst v63  }
0xcf: {  	_ =	swait.ge @!p0 [sflag:s9], $0x4000  }
0xd0: {  	s19 =	simm.s32 @!p0 $0x80;
	[sflag:s9] =	ssyncset.done @!p0 $0x0  }
0xd1: {  	s11 =	simm.s32 @!p0 $0xA080;
	[sflag:s9] =	ssyncadd.s32 @!p0 $0xFFFFC000;
	s9 =	sadd.s32 $0xFFFFFFFF, s31  }
0xd2: {  	[tilespmem:s11], [sflag:$0x2] =	stream.indirect.gather @!p0 [hbm4b:s4+s19], $0x80, s2, s19, $0x2000b8;
	[tilespmem:$0x1E900] =	vst v63  }
0xd3: {  	s14 =	simm.s32 @!p0 $0x2;
	s31 =	sadd.s32 $0xFFFFFFFF, s9  }
0xd4: {  	_ =	swait.ge @!p0 [sflag:s14], $0x4000;
	p1 =	sne.s32 s31, $0x0  }
.Ltmp8:
0xd5: {  	[sflag:s14] =	ssyncset.done @!p0 $0x0;
	(pc) =	sbr.rel @!p1 .LBB2_11-.Ltmp8, $4  }
0xd6: {  	s0 =	simm.s32 @!p0 $0x6080;
	s3 =	sadd.s32 @!p0 $0xFFFFFF80, s30;
	[sflag:s14] =	ssyncadd.s32 @!p0 $0xFFFFC000  }
0xd7: {  	[spmem:s1] =	stream.indirect.scatter.add.f32 @!p0 [tilespmem:s0], [sflag:$0x1], $0x80, s3, s19, $0x2000b8;
	[tilespmem:$0x1E900] =	vst v63  }
0xd8: {  	s2 =	sadd.s32 $0x100, s2;
	_ =	swait.ge @!p0 [sflag:s14], $0x4000  }
0xd9: {  	s0 =	simm.s32 $0x2;
	s3 =	sadd.s32 $0x100, s30;
	[sflag:s14] =	ssyncset.done @!p0 $0x0  }
.LBB2_10:
0xda: {  	s31 =	sadd.s32 $0xFFFFFFFF, s31;
	[sflag:s14] =	ssyncadd.s32 @!p0 $0xFFFFC000;
	s0 =	sadd.s32 $0x2, s0  }
0xdb: {  	[spmem:s1] =	stream.indirect.scatter.add.f32 @!p0 [tilespmem:s11], [sflag:$0x1], $0x80, s30, s19, $0x2000b8;
	[tilespmem:$0x1E900] =	vst v63  }
0xdc: {  	p1 =	sne.s32 s31, $0x0;
	s30 =	smov.u32 s3;
	_ =	swait.ge [sflag:s23], $0x4000  }
0xdd: {  	s9 =	sadd.s32 $0xFFFFFF80, s2;
	p0 =	sge.s32 s0, s29;
	[sflag:s23] =	ssyncset.done $0x0  }
0xde: {  	s11 =	simm.s32 @p0 $0x2;
	[sflag:s23] =	ssyncadd.s32 $0xFFFFC000  }
0xdf: {  	[tilespmem:s24], [sflag:$0x2] =	stream.indirect.gather [hbm4b:s4+s18], $0x80, s9, s18, $0x2000b8;
	[tilespmem:$0x1E900] =	vst v63  }
0xe0: {  	s9 =	simm.s32 @p0 $0x6080;
	_ =	swait.ge @p0 [sflag:s11], $0x4000  }
0xe1: {  	s14 =	sadd.s32 @p0 $0xFFFFFF80, s3;
	s19 =	simm.s32 @p0 $0x80;
	[sflag:s11] =	ssyncset.done @p0 $0x0  }
0xe2: {  	s8 =	simm.s32 @!p0 $0x1;
	[sflag:s11] =	ssyncadd.s32 @p0 $0xFFFFC000  }
0xe3: {  	[spmem:s1] =	stream.indirect.scatter.add.f32 @p0 [tilespmem:s9], [sflag:$0x1], $0x80, s14, s19, $0x2000b8;
	[tilespmem:$0x1E900] =	vst v63  }
0xe4: {  	_ =	swait.ge @!p0 [sflag:s8], $0x4000  }
0xe5: {  	s11 =	simm.s32 @!p0 $0xA080;
	s19 =	simm.s32 @!p0 $0x80;
	[sflag:s8] =	ssyncset.done @!p0 $0x0  }
0xe6: {  	s14 =	simm.s32 @!p0 $0x2;
	[sflag:s8] =	ssyncadd.s32 @!p0 $0xFFFFC000  }
0xe7: {  	[tilespmem:s11], [sflag:$0x2] =	stream.indirect.gather @!p0 [hbm4b:s4+s19], $0x80, s2, s19, $0x2000b8;
	[tilespmem:$0x1E900] =	vst v63  }
0xe8: {  	s8 =	simm.s32 @!p0 $0x6080;
	_ =	swait.ge @!p0 [sflag:s14], $0x4000  }
.Ltmp9:
0xe9: {  	s9 =	sadd.s32 @!p0 $0xFFFFFF80, s3;
	[sflag:s14] =	ssyncset.done @!p0 $0x0;
	(pc) =	sbr.rel @p1 .LBB2_10-.Ltmp9, $4  }
0xea: {  	[sflag:s14] =	ssyncadd.s32 @!p0 $0xFFFFC000  }
0xeb: {  	[spmem:s1] =	stream.indirect.scatter.add.f32 @!p0 [tilespmem:s8], [sflag:$0x1], $0x80, s9, s19, $0x2000b8;
	[tilespmem:$0x1E900] =	vst v63  }
0xec: {  	_ =	swait.ge @!p0 [sflag:s14], $0x4000  }
0xed: {  	s3 =	sadd.s32 $0x100, s3;
	s2 =	sadd.s32 $0x100, s2;
	[sflag:s14] =	ssyncset.done @!p0 $0x0  }
.Ltmp10:
0xee: {  	_ = 	snop;
	(pc) =	sbr.rel .LBB2_11-.Ltmp10, $1  }
0xef: {  	_ =	sdelay $0x3  }
.LBB2_13:
0xf0: {  	_ =	strace $0x9000004B  }
0xf1: {  	s0 =	simm.s32 $0x0;
	s3 =	simm.s32 $0x100;
	s2 =	rddreg [dreg:$0x6]  }
0xf2: {  	[tilespmem:s0], [sflag:$0x3] =	stream.strided.gather [hbm4b:s2+s18], $0x1880, s3, s18, $0x38;
	[tilespmem:$0x1E900] =	vst v63  }
0xf3: {  	_ =	swait.ge [sflag:s17], $0x1880  }
0xf4: {  	[sflag:s17] =	ssyncset.done $0x0  }
0xf5: {  	[sflag:s17] =	ssyncadd.s32 $0xFFFFE780  }
0xf6: {  	_ =	strace $0x80000051;
	[tilespmem:$0xE080] =	vst v4  }
0xf7: {  	[tilespmem:$0xE090] =	vst v4  }
0xf8: {  	s2 =	simm.s32 $0x0;
	s0 =	simm.s32 $0x40;
	[tilespmem:$0xE0A0] =	vst v4  }
.LBB2_14:
0xf9: {  	p0 =	sne.s32 s0, $0x61C0;
	v6 =	vld [tilespmem:s2+$0x0];
	_ =	sdelay $0x4  }
0xfa: {  	vm0 =	vge.s32 v6, v0;
	vm1 =	vlt.s32 v6, v2;
	v6 =	vsub.s32 v6, v0  }
0xfb: {  	vm0 =	vmand vm0, vm1;
	v6 =	vshra.s32 v6, $0xD  }
0xfc: {  	v6 =	vnsel vm0, $0x0, v6  }
0xfd: {  	(xrf1) =	vunique.msk.u32 vm0, v6;
	_ =	sdelay $0xd  }
0xfe: {  	_, v7, vm1 =	vpop (xrf1)  }
0xff: {  	vm0 =	vmand vm0, vm1;
	_ =	sdelay $0x1  }
.Ltmp11:
0x100: {  	(pc) =	sbr.rel @p0 .LBB2_14-.Ltmp11, $3  }
0x101: {  	_ =	sdelay $0x1  }
0x102: {  	v7 =	vadd.s32 $0x1, v7  }
0x103: {  	s2 =	sshra.s32 s0, $0x2;
	s0 =	sadd.s32 $0x40, s0;
	[tilespmem:v6+s20+$0x0] =	vst.idx.add.s32.msk vm0, v7  }
0x104: {  	v6 =	vld [tilespmem:s2+$0x0];
	_ =	sdelay $0x4  }
0x105: {  	vm0 =	vge.s32 v6, v0;
	vm1 =	vlt.s32 v6, v2;
	v6 =	vsub.s32 v6, v0  }
0x106: {  	vm0 =	vmand vm0, vm1;
	v6 =	vshra.s32 v6, $0xD  }
0x107: {  	v6 =	vnsel vm0, $0x0, v6  }
0x108: {  	(xrf1) =	vunique.msk.u32 vm0, v6;
	_ =	sdelay $0xd  }
0x109: {  	_, v7, vm15 =	vpop (xrf1)  }
0x10a: {  	vm0 =	vmand vm0, vm15;
	_ =	sdelay $0x4  }
0x10b: {  	v7 =	vadd.s32 $0x1, v7  }
0x10c: {  	[tilespmem:v6+s20+$0x0] =	vst.idx.add.s32.msk vm0, v7  }
0x10d: {  	_ =	strace $0x90000051  }
0x10e: {  	v6 =	vld [tilespmem:$0xE080]  }
0x10f: {  	v7 =	vld [tilespmem:$0xE090];
	_ =	sdelay $0x3  }
0x110: {  	v6 =	vadd.s32 $0x7F, v6  }
0x111: {  	v7 =	vadd.s32 $0x7F, v7;
	v6 =	vand.u32 $0xFFFFFF80, v6  }
0x112: {  	v8 =	vand.u32 $0xFFFFFF80, v7;
	(xrf0) =	vadd.scan.msk.s32 $0xffff, v6  }
0x113: {  	(xrf0) =	vadd.scan.msk.s32 $0xffff, v8;
	_ =	sdelay $0x4  }
0x114: {  	v7, _, _ =	vpop (xrf0)  }
0x115: {  	s0 =	simm.s32 $0x0;
	v9, _, _ =	vpop (xrf0);
	v10 =	vbroadcast v7, $0xF  }
0x116: {  	s31 =	simm.s32 $0x0;
	s0 =	sand.u32 $0x70, s0;
	v8 =	vsub.s32 v9, v8  }
0x117: {  	s2 =	sand.u32 $0xFFFFFF80, s31;
	v9 =	vor.u32 s0, v1;
	v8 =	vadd.s32 v10, v8  }
0x118: {  	[tilespmem:$0xE090] =	vst v8;
	v8 =	vor.u32 s2, v9  }
0x119: {  	v7 =	vsub.s32 v7, v6  }
0x11a: {  	s3 =	sadd.s32 s10, s2;
	[tilespmem:$0xE080] =	vst v7  }
0x11b: {  	s0 =	simm.s32 $0x1;
	s2 =	simm.s32 $0x10;
	_ =	strace $0x80000052  }
.LBB2_16:
0x11c: {  	s8 =	sand.u32 $0x70, s2;
	s9 =	sshll.u32 s0, $0x4;
	v10 =	vadd.s32 s3, v9;
	p0 =	sne.s32 s0, $0x207  }
.Ltmp12:
0x11d: {  	s0 =	sadd.s32 $0x1, s0;
	v9 =	vor.u32 s8, v1;
	s3 =	sand.u32 $0xFFFFFF80, s9;
	[tilespmem:v8+s21+$0x0] =	vst.idx.msk $0xffff, v3;
	v10 =	vand.u32 $0x1FFF, v10;
	(pc) =	sbr.rel @p0 .LBB2_16-.Ltmp12, $2  }
0x11e: {  	[tilespmem:v8+s22+$0x0] =	vst.idx.msk $0xffff, v10;
	v8 =	vor.u32 s3, v9;
	_ =	sdelay $0x2  }
0x11f: {  	s2 =	sadd.s32 $0x10, s2;
	s3 =	sadd.s32 s10, s3  }
0x120: {  	_ =	sdelay $0x2  }
0x121: {  	v9 =	vadd.s32 s3, v9  }
0x122: {  	[tilespmem:v8+s21+$0x0] =	vst.idx.msk $0xffff, v3;
	v9 =	vand.u32 $0x1FFF, v9  }
0x123: {  	[tilespmem:v8+s22+$0x0] =	vst.idx.msk $0xffff, v9  }
0x124: {  	_ =	strace $0x90000052  }
0x125: {  	s0 =	simm.s32 $0x0;
	_ =	strace $0x80000053  }
0x126: {  	v8 =	vld [tilespmem:s0+$0x0];
	_ =	sdelay $0x4  }
0x127: {  	vm0 =	vge.s32 v8, v0;
	vm1 =	vlt.s32 v8, v2;
	v63 =	vsub.s32 v8, v0  }
0x128: {  	vm0 =	vmand vm0, vm1;
	v9 =	vshra.s32 v63, $0xD  }
0x129: {  	v9 =	vnsel vm0, $0x0, v9  }
0x12a: {  	(xrf1) =	vunique.msk.u32 vm0, v9;
	_ =	sdelay $0x9  }
0x12b: {  	v10 =	vld.idx.msk [tilespmem:v9+s20+$0x0], vm0;
	_ =	sdelay $0x3  }
0x12c: {  	_, v11, vm15 =	vpop (xrf1)  }
0x12d: {  	v10 =	vadd.s32 v10, v11  }
0x12e: {  	vm1 =	vmand vm0, vm15;
	_ =	sdelay $0x3  }
0x12f: {  	[tilespmem:v10+s22+$0x0] =	vst.idx.msk vm0, v5;
	v5 =	vand.u32 $0x1FFF, v8  }
0x130: {  	[tilespmem:v10+s21+$0x0] =	vst.idx.msk vm0, v5;
	v5 =	vadd.s32 $0x1, v11  }
0x131: {  	s31 =	simm.s32 $0x10;
	[tilespmem:v9+s20+$0x0] =	vst.idx.add.s32.msk vm1, v5  }
0x132: {  	s0 =	simm.s32 $0x80;
	s26 =	rddreg [dreg:$0x4];
	v5 =	vld [tilespmem:s31+$0x0]  }
.LBB2_18:
0x133: {  	p0 =	sne.s32 s0, $0x61C0;
	_ =	sdelay $0x3  }
0x134: {  	vm0 =	vge.s32 v5, v0;
	vm1 =	vlt.s32 v5, v2;
	v8 =	vsub.s32 v5, v0  }
0x135: {  	vm0 =	vmand vm0, vm1;
	v8 =	vshra.s32 v8, $0xD  }
0x136: {  	v8 =	vnsel vm0, $0x0, v8  }
0x137: {  	(xrf1) =	vunique.msk.u32 vm0, v8;
	_ =	sdelay $0x8  }
0x138: {  	v9 =	vld.idx.msk [tilespmem:v8+s20+$0x0], vm0;
	_ =	sdelay $0x4  }
0x139: {  	_, v10, vm1 =	vpop (xrf1)  }
0x13a: {  	v9 =	vadd.s32 v9, v10  }
0x13b: {  	vm1 =	vmand vm0, vm1;
	_ =	sdelay $0x1  }
0x13c: {  	s26 =	sadd.s32 $0x10, s26  }
.Ltmp13:
0x13d: {  	v11 =	vor.u32 s26, v1;
	(pc) =	sbr.rel @p0 .LBB2_18-.Ltmp13, $4  }
0x13e: {  	v5 =	vand.u32 $0x1FFF, v5;
	[tilespmem:v9+s22+$0x0] =	vst.idx.msk vm0, v11  }
0x13f: {  	[tilespmem:v9+s21+$0x0] =	vst.idx.msk vm0, v5;
	v5 =	vadd.s32 $0x1, v10  }
0x140: {  	s2 =	sshra.s32 s0, $0x2;
	[tilespmem:v8+s20+$0x0] =	vst.idx.add.s32.msk vm1, v5  }
0x141: {  	s0 =	sadd.s32 $0x40, s0;
	v5 =	vld [tilespmem:s2+$0x0]  }
0x142: {  	_ =	sdelay $0x3  }
0x143: {  	vm0 =	vge.s32 v5, v0;
	vm1 =	vlt.s32 v5, v2;
	v8 =	vsub.s32 v5, v0  }
0x144: {  	vm0 =	vmand vm0, vm1;
	v8 =	vshra.s32 v8, $0xD  }
0x145: {  	v8 =	vnsel vm0, $0x0, v8  }
0x146: {  	(xrf1) =	vunique.msk.u32 vm0, v8;
	_ =	sdelay $0x9  }
0x147: {  	v9 =	vld.idx.msk [tilespmem:v8+s20+$0x0], vm0;
	_ =	sdelay $0x3  }
0x148: {  	_, v10, vm15 =	vpop (xrf1)  }
0x149: {  	v9 =	vadd.s32 v9, v10  }
0x14a: {  	vm1 =	vmand vm0, vm15;
	_ =	sdelay $0x1  }
0x14b: {  	s0 =	sadd.s32 $0x10, s26  }
0x14c: {  	v11 =	vor.u32 s0, v1  }
.Ltmp14:
0x14d: {  	v5 =	vand.u32 $0x1FFF, v5;
	[tilespmem:v9+s22+$0x0] =	vst.idx.msk vm0, v11;
	(pc) =	sbr.rel .LBB2_20-.Ltmp14, $4  }
0x14e: {  	[tilespmem:v9+s21+$0x0] =	vst.idx.msk vm0, v5;
	v5 =	vadd.s32 $0x1, v10  }
0x14f: {  	[tilespmem:v8+s20+$0x0] =	vst.idx.add.s32.msk vm1, v5  }
0x150: {  	_ =	strace $0x90000053  }
0x151: {  	s26 =	simm.s32 $0x0;
	_ =	strace $0x80000054  }
.LBB2_23:
0x152: {  	[sflag:s14] =	ssyncadd.s32 @!p0 $0xFFFFC000  }
0x153: {  	[spmem:s1] =	stream.indirect.scatter.add.f32 @!p0 [tilespmem:s11], [sflag:$0x1], $0x80, s30, s19, $0x2000b8;
	[tilespmem:$0x1E900] =	vst v63  }
.LBB2_24:
0x154: {  	p0 =	slt.s32 s28, $0x1  }
0x155: {  	s0 =	simm.s32 @!p0 $0x1  }
0x156: {  	p1 =	seq.s32 @!p0 s28, $0x1;
	_ =	swait.ge @!p0 [sflag:s0], $0x4000  }
0x157: {  	p1 =	por p1, p0;
	[sflag:s0] =	ssyncset.done @!p0 $0x0  }
0x158: {  	[sflag:s0] =	ssyncadd.s32 @!p0 $0xFFFFC000;
	s0 =	simm.s32 @!p1 $0x1  }
0x159: {  	_ =	swait.ge @!p1 [sflag:s0], $0x4000  }
0x15a: {  	[sflag:s0] =	ssyncset.done @!p1 $0x0  }
0x15b: {  	[sflag:s0] =	ssyncadd.s32 @!p1 $0xFFFFC000  }
0x15c: {  	_ =	strace $0x90000055  }
0x15d: {  	_ =	strace $0x80000056  }
0x15e: {  	s31 =	sshll.u32 s26, $0x11;
	[bflag:$0x0] =	sbarrier.arrive $0xFFFF  }
0x15f: {  	s0 =	sadd.s32 s5, s31;
	_ =	strace $0x90000056  }
0x160: {  	s0 =	sadd.s32 s0, s13;
	_ =	strace $0x80000057  }
0x161: {  	[hbm:s0], [sflag:s7] =	dma.local [spmem:s16], $0x2000  }
0x162: {  	_ =	swait.ge [sflag:s17], $0x2000  }
0x163: {  	[sflag:s17] =	ssyncset.done $0x0  }
0x164: {  	[sflag:s17] =	ssyncadd.s32 $0xFFFFE000  }
0x165: {  	_ =	strace $0x90000057  }
0x166: {  	_ =	strace $0x80000058  }
0x167: {  	[spmem:s16], [sflag:s7] =	dma.local [hbm:s6], $0x2000  }
0x168: {  	s26 =	sadd.s32 $0x1, s26;
	_ =	swait.ge [sflag:s17], $0x2000  }
0x169: {  	p0 =	sne.s32 s26, $0x10;
	[sflag:s17] =	ssyncset.done $0x0  }
.Ltmp15:
0x16a: {  	[sflag:s17] =	ssyncadd.s32 $0xFFFFE000;
	(pc) =	sbr.rel @!p0 .LBB2_25-.Ltmp15, $4  }
0x16b: {  	_ =	strace $0x90000058  }
0x16c: {  	_ =	strace $0x80000059  }
0x16d: {  	[bflag:$0x0] =	sbarrier.arrive $0xFFFF  }
0x16e: {  	_ =	strace $0x90000059  }
.LBB2_20:
0x16f: {  	v5 =	vmov s26  }
0x170: {  	vm0 =	veq.s32 v5, v1  }
0x171: {  	v5 =	vnsel vm0, $0x0, v7  }
0x172: {  	(xrf0) =	vadd.scan.msk.s32 $0xffff, v5;
	v5 =	vnsel vm0, $0x0, v6  }
0x173: {  	(xrf0) =	vadd.scan.msk.s32 $0xffff, v5;
	_ =	sdelay $0x4  }
0x174: {  	v5, _, _ =	vpop (xrf0)  }
0x175: {  	(v2sf) =	vpush v5, $0xF;
	v5, _, _ =	vpop (xrf0)  }
0x176: {  	(v2sf) =	vpush v5, $0xF;
	_ =	sdelay $0xd  }
0x177: {  	s0 =	spop (v2sf)  }
0x178: {  	s2 =	spop (v2sf)  }
0x179: {  	s28 =	sshra.s32 s2, $0x7  }
0x17a: {  	s2 =	sadd.s32 $0x1, s28  }
0x17b: {  	s31 =	sshra.s32 s2, $0x1  }
0x17c: {  	p0 =	slt.s32 s31, $0x1  }
0x17d: {  	_ =	strace $0x80000055;
	p1 =	sgt.s32 @!p0 s28, $0x1  }
0x17e: {  	s2 =	sand.u32 @!p0 $0xFFFFFF80, s0;
	s8 =	simm.s32 @!p0 $0x80;
	s9 =	simm.s32 @!p0 $0x6080  }
0x17f: {  	s0 =	sshra.s32 s0, $0x7;
	s3 =	sadd.s32 @!p0 $0x1880, s2;
	p2 =	por !p1, p0  }
0x180: {  	[tilespmem:s9], [sflag:$0x2] =	stream.indirect.gather @!p0 [hbm4b:s12+s8], $0x80, s3, s8, $0x2000b8;
	[tilespmem:$0x1E900] =	vst v63  }
0x181: {  	s3 =	sshll.u32 @!p2 s0, $0x9  }
0x182: {  	s3 =	sadd.s32 @!p2 $0x200, s3  }
0x183: {  	s3 =	sshra.s32 @!p2 s3, $0x2  }
0x184: {  	s9 =	simm.s32 @!p2 $0x80;
	s11 =	simm.s32 @!p2 $0xA080;
	s8 =	sadd.s32 @!p2 $0x1880, s3  }
0x185: {  	[tilespmem:s11], [sflag:$0x2] =	stream.indirect.gather @!p2 [hbm4b:s12+s9], $0x80, s8, s9, $0x2000b8;
	[tilespmem:$0x1E900] =	vst v63  }
0x186: {  	s8 =	simm.s32 @!p2 $0x2  }
0x187: {  	_ =	swait.ge @!p2 [sflag:s8], $0x4000  }
0x188: {  	[sflag:s8] =	ssyncset.done @!p2 $0x0  }
0x189: {  	s14 =	sadd.s32 @!p2 $0x3C80, s2;
	s19 =	simm.s32 @!p2 $0x6080;
	[sflag:s8] =	ssyncadd.s32 @!p2 $0xFFFFC000  }
0x18a: {  	[spmem:s1] =	stream.indirect.scatter.add.f32 @!p2 [tilespmem:s19], [sflag:$0x1], $0x80, s14, s9, $0x2000b8;
	[tilespmem:$0x1E900] =	vst v63  }
0x18b: {  	_ =	swait.ge @!p2 [sflag:s8], $0x4000  }
0x18c: {  	[sflag:s8] =	ssyncset.done @!p2 $0x0  }
0x18d: {  	p1 =	por p1, p0;
	s3 =	sadd.s32 @!p2 $0x3C80, s3;
	[sflag:s8] =	ssyncadd.s32 @!p2 $0xFFFFC000  }
0x18e: {  	[spmem:s1] =	stream.indirect.scatter.add.f32 @!p2 [tilespmem:s11], [sflag:$0x1], $0x80, s3, s9, $0x2000b8;
	[tilespmem:$0x1E900] =	vst v63  }
0x18f: {  	s3 =	simm.s32 @!p1 $0x2  }
0x190: {  	_ =	swait.ge @!p1 [sflag:s3], $0x4000  }
0x191: {  	s2 =	sadd.s32 @!p1 $0x3C80, s2;
	[sflag:s3] =	ssyncset.done @!p1 $0x0  }
0x192: {  	s8 =	simm.s32 @!p1 $0x6080;
	[sflag:s3] =	ssyncadd.s32 @!p1 $0xFFFFC000;
	s3 =	simm.s32 @!p1 $0x80  }
0x193: {  	[spmem:s1] =	stream.indirect.scatter.add.f32 @!p1 [tilespmem:s8], [sflag:$0x1], $0x80, s2, s3, $0x2000b8;
	[tilespmem:$0x1E900] =	vst v63  }
0x194: {  	p1 =	seq.s32 @!p0 s31, $0x1  }
0x195: {  	p0 =	por p0, p1  }
.Ltmp16:
0x196: {  	_ = 	snop;
	(pc) =	sbr.rel @p0 .LBB2_24-.Ltmp16, $1  }
0x197: {  	_ =	sdelay $0x3  }
0x198: {  	s0 =	sshll.u32 s0, $0x9  }
0x199: {  	s29 =	sadd.s32 $0xFFFFFFFF, s28;
	_ =	swait.ge [sflag:s23], $0x4000;
	s0 =	sshra.s32 s0, $0x2  }
0x19a: {  	p0 =	sle.s32 s29, $0x2;
	[sflag:s23] =	ssyncset.done $0x0;
	s2 =	sadd.s32 $0x1A00, s0  }
0x19b: {  	[sflag:s23] =	ssyncadd.s32 $0xFFFFC000;
	s8 =	simm.s32 @p0 $0x2;
	s3 =	sadd.s32 $0xFFFFFF80, s2  }
0x19c: {  	[tilespmem:s24], [sflag:$0x2] =	stream.indirect.gather [hbm4b:s12+s18], $0x80, s3, s18, $0x2000b8;
	[tilespmem:$0x1E900] =	vst v63  }
0x19d: {  	s30 =	sadd.s32 $0x3E00, s0;
	_ =	swait.ge @p0 [sflag:s8], $0x4000  }
0x19e: {  	s0 =	simm.s32 @p0 $0x6080;
	s9 =	simm.s32 @p0 $0x80;
	[sflag:s8] =	ssyncset.done @p0 $0x0  }
0x19f: {  	s3 =	sadd.s32 @p0 $0xFFFFFF80, s30;
	[sflag:s8] =	ssyncadd.s32 @p0 $0xFFFFC000;
	s8 =	simm.s32 @!p0 $0x1  }
0x1a0: {  	[spmem:s1] =	stream.indirect.scatter.add.f32 @p0 [tilespmem:s0], [sflag:$0x1], $0x80, s3, s9, $0x2000b8;
	[tilespmem:$0x1E900] =	vst v63  }
0x1a1: {  	s19 =	simm.s32 @!p0 $0x80;
	_ =	swait.ge @!p0 [sflag:s8], $0x4000  }
0x1a2: {  	s11 =	simm.s32 @!p0 $0xA080;
	s9 =	sadd.s32 $0xFFFFFFFF, s31;
	[sflag:s8] =	ssyncset.done @!p0 $0x0  }
0x1a3: {  	s14 =	simm.s32 @!p0 $0x2;
	s31 =	sadd.s32 $0xFFFFFFFF, s9;
	[sflag:s8] =	ssyncadd.s32 @!p0 $0xFFFFC000  }
0x1a4: {  	[tilespmem:s11], [sflag:$0x2] =	stream.indirect.gather @!p0 [hbm4b:s12+s19], $0x80, s2, s19, $0x2000b8;
	[tilespmem:$0x1E900] =	vst v63  }
0x1a5: {  	p1 =	sne.s32 s31, $0x0;
	_ =	swait.ge @!p0 [sflag:s14], $0x4000  }
.Ltmp17:
0x1a6: {  	[sflag:s14] =	ssyncset.done @!p0 $0x0;
	(pc) =	sbr.rel @!p1 .LBB2_23-.Ltmp17, $4  }
0x1a7: {  	s0 =	simm.s32 @!p0 $0x6080;
	s3 =	sadd.s32 @!p0 $0xFFFFFF80, s30;
	[sflag:s14] =	ssyncadd.s32 @!p0 $0xFFFFC000  }
0x1a8: {  	[spmem:s1] =	stream.indirect.scatter.add.f32 @!p0 [tilespmem:s0], [sflag:$0x1], $0x80, s3, s19, $0x2000b8;
	[tilespmem:$0x1E900] =	vst v63  }
0x1a9: {  	s2 =	sadd.s32 $0x100, s2;
	_ =	swait.ge @!p0 [sflag:s14], $0x4000  }
0x1aa: {  	s0 =	simm.s32 $0x2;
	s3 =	sadd.s32 $0x100, s30;
	[sflag:s14] =	ssyncset.done @!p0 $0x0  }
.LBB2_22:
0x1ab: {  	s31 =	sadd.s32 $0xFFFFFFFF, s31;
	[sflag:s14] =	ssyncadd.s32 @!p0 $0xFFFFC000;
	s0 =	sadd.s32 $0x2, s0  }
0x1ac: {  	[spmem:s1] =	stream.indirect.scatter.add.f32 @!p0 [tilespmem:s11], [sflag:$0x1], $0x80, s30, s19, $0x2000b8;
	[tilespmem:$0x1E900] =	vst v63  }
0x1ad: {  	p1 =	sne.s32 s31, $0x0;
	s30 =	smov.u32 s3;
	_ =	swait.ge [sflag:s23], $0x4000  }
0x1ae: {  	s8 =	sadd.s32 $0xFFFFFF80, s2;
	p0 =	sge.s32 s0, s29;
	[sflag:s23] =	ssyncset.done $0x0  }
0x1af: {  	s9 =	simm.s32 @p0 $0x2;
	[sflag:s23] =	ssyncadd.s32 $0xFFFFC000  }
0x1b0: {  	[tilespmem:s24], [sflag:$0x2] =	stream.indirect.gather [hbm4b:s12+s18], $0x80, s8, s18, $0x2000b8;
	[tilespmem:$0x1E900] =	vst v63  }
0x1b1: {  	s8 =	simm.s32 @p0 $0x6080;
	_ =	swait.ge @p0 [sflag:s9], $0x4000  }
0x1b2: {  	s11 =	sadd.s32 @p0 $0xFFFFFF80, s3;
	s14 =	simm.s32 @p0 $0x80;
	[sflag:s9] =	ssyncset.done @p0 $0x0  }
0x1b3: {  	[sflag:s9] =	ssyncadd.s32 @p0 $0xFFFFC000;
	s9 =	simm.s32 @!p0 $0x1  }
0x1b4: {  	[spmem:s1] =	stream.indirect.scatter.add.f32 @p0 [tilespmem:s8], [sflag:$0x1], $0x80, s11, s14, $0x2000b8;
	[tilespmem:$0x1E900] =	vst v63  }
0x1b5: {  	_ =	swait.ge @!p0 [sflag:s9], $0x4000  }
0x1b6: {  	s19 =	simm.s32 @!p0 $0x80;
	s11 =	simm.s32 @!p0 $0xA080;
	[sflag:s9] =	ssyncset.done @!p0 $0x0  }
0x1b7: {  	s14 =	simm.s32 @!p0 $0x2;
	[sflag:s9] =	ssyncadd.s32 @!p0 $0xFFFFC000  }
0x1b8: {  	[tilespmem:s11], [sflag:$0x2] =	stream.indirect.gather @!p0 [hbm4b:s12+s19], $0x80, s2, s19, $0x2000b8;
	[tilespmem:$0x1E900] =	vst v63  }
0x1b9: {  	s8 =	simm.s32 @!p0 $0x6080;
	_ =	swait.ge @!p0 [sflag:s14], $0x4000  }
.Ltmp18:
0x1ba: {  	s9 =	sadd.s32 @!p0 $0xFFFFFF80, s3;
	[sflag:s14] =	ssyncset.done @!p0 $0x0;
	(pc) =	sbr.rel @p1 .LBB2_22-.Ltmp18, $4  }
0x1bb: {  	[sflag:s14] =	ssyncadd.s32 @!p0 $0xFFFFC000  }
0x1bc: {  	[spmem:s1] =	stream.indirect.scatter.add.f32 @!p0 [tilespmem:s8], [sflag:$0x1], $0x80, s9, s19, $0x2000b8;
	[tilespmem:$0x1E900] =	vst v63  }
0x1bd: {  	_ =	swait.ge @!p0 [sflag:s14], $0x4000  }
0x1be: {  	s3 =	sadd.s32 $0x100, s3;
	s2 =	sadd.s32 $0x100, s2;
	[sflag:s14] =	ssyncset.done @!p0 $0x0  }
.Ltmp19:
0x1bf: {  	_ = 	snop;
	(pc) =	sbr.rel .LBB2_23-.Ltmp19, $1  }
0x1c0: {  	_ =	sdelay $0x3  }
.LBB2_26:
0x1c1: {  	_ =	sfence.sel $0x180000  }
0x1c2: {  	[bflag:$0x0] =	sbarrier.arrive $0xFFFF  }
0x1c3: {  	_ =	strace $0x90000047  }
0x1c4: {  	s0 =	stileid.u32;
	[bflag:$0x2] =	sbarrier.arrive $0xFFFF  }
0x1c5: {  	p0 =	sne.s32 s0, $0x0;
	s0 =	rddreg [dreg:$0x3]  }
0x1c6: {  	s0 =	sadd.s32 @!p0 $0x100000, s0  }
0x1c7: {  	[sflag:s0] =	ssyncadd.tile.s32 @!p0 $0x1;
	_ =	shalt  }
.Lfunc_end2:
_tile_overlayer_lowered:
.L_overlay_start_2:
0x1c8: {  	(tag) =	ssettag $0x2  }
0x1c9: {  	s0 =	rddreg [dreg:$0x0];
	s2 =	stileid.u32  }
0x1ca: {  	s1 =	rddreg [dreg:$0x1];
	p0 =	sne.s32 s2, $0x0  }
0x1cb: {  	s3 =	rddreg [dreg:$0x2];
	[bflag:$0x3] =	sbarrier.arrive $0xFFFF;
	s2 =	simm.s32 @!p0 $0x1C03  }
0x1cc: {  	[timem:s3], [sflag:s2] =	dma.local @!p0 [hbm:s0], s1  }
0x1cd: {  	s0 =	simm.s32 @!p0 $0x3  }
0x1ce: {  	_ =	swait.ge @!p0 [sflag:s0], s1  }
0x1cf: {  	s1 =	ssub.s32 @!p0 $0x0, s1;
	[sflag:s0] =	ssyncset.done @!p0 $0x0  }
0x1d0: {  	[sflag:s0] =	ssyncadd.s32 @!p0 s1  }
0x1d1: {  	[bflag:$0x3] =	sbarrier.arrive $0xFFFF  }
0x1d2: {  	_ =	shalt  }

// kernel: sparse-core-data-format-call.cloned.1.call-start
scs
called_computation_lowered:
.L_overlay_start_0:
0x0: {  	s2 =	sld [smem:$0x3FD9]  }
0x1: {  	s3 =	sld [smem:$0x3FFE];
	_ =	sdelay $0x1  }
0x2: {  	s1 =	srdreg.scid  }
0x3: {  	s0 =	sand.u32 $0x1, s1  }
0x4: {  	s18 =	sshll.u32 s0, $0xA;
	s2 =	sadd.s32 s3, s2  }
0x5: {  	s2 =	sadd.s32 s2, s18  }
0x6: {  	[smem:$0x3FC6] =	sst s2  }
0x7: {  	_ = 	snop  }
0x8: {  	s2 =	sld [smem:$0x3FD0];
	(tm) =	ssettm $0x1  }
0x9: {  	s19 =	sld [smem:$0x3FFB];
	_ =	sdelay $0x3  }
0xa: {  	_ =	strace s19  }
0xb: {  	s3 =	sld [smem:$0x3FFC];
	_ =	sdelay $0x3  }
0xc: {  	_ =	strace s3  }
0xd: {  	s3 =	sld [smem:$0x3FFD];
	_ =	sdelay $0x3  }
0xe: {  	_ =	strace s3  }
0xf: {  	_ =	strace $0x8FFFFFFF  }
0x10: {  	s20 =	sld [smem:$0x3FDB];
	_ =	sdelay $0x1  }
0x11: {  	s4 =	simm.s32 $_scs_section_size  }
0x12: {  	s5 =	simm.s32 $_size__tile_overlayer_lowered;
	s6 =	simm.s32 $_tile_overlayer_lowered  }
0x13: {  	s23 =	simm.s32 $0x1BFF;
	s22 =	sshll.u32 s6, $0x1;
	s3 =	sadd.s32 s4, s20  }
0x14: {  	s7 =	simm.s32 $0x0;
	s21 =	sshll.u32 s5, $0x1;
	s5 =	sadd.s32 s22, s3  }
0x15: {  	[timem:s7], [sflag:s23] =	dma.local [hbm:s5], s21  }
0x16: {  	_ =	swait.ge [sflag:s23], s21  }
0x17: {  	s4 =	ssub.s32 $0x0, s21;
	[sflag:s23] =	ssyncset.done $0x0  }
0x18: {  	[sflag:s23] =	ssyncadd.s32 s4;
	_ =	sdelay $0x1  }
0x19: {  	s24 =	simm.s32 $0x1B8B  }
0x1a: {  	_ =	swait.ge [sflag:s24], $0x1  }
0x1b: {  	[sflag:s24] =	ssyncset.done $0x0  }
0x1c: {  	s26 =	simm.s32 $0x1B8E;
	s25 =	sld [smem:$0x3FFE];
	[sflag:s24] =	ssyncadd.s32 $0xFFFFFFFF  }
0x1d: {  	s27 =	simm.s32 $execute0_lowered;
	[smem:$0x3FD2] =	sst s26  }
0x1e: {  	s5 =	sshll.u32 s27, $0x1;
	_ =	strace $0x8000005B;
	[dreg:$0x1] =	wrdreg $0xFFFFFFFF  }
0x1f: {  	s28 =	simm.s32 $_size_execute0_lowered;
	s3 =	sadd.s32 s3, s5;
	[dreg:$0x0] =	wrdreg $0x0  }
0x20: {  	s5 =	sshll.u32 s28, $0x1;
	[dreg:$0x2] =	wrdreg s3  }
0x21: {  	[dreg:$0x3] =	wrdreg s5  }
0x22: {  	[dreg:$0x4] =	wrdreg $0xC0  }
0x23: {  	_ =	task [dreg:s7], $0x5FFFF  }
0x24: {  	[dreg:$0x1] =	wrdreg $0xFFFFFFFF  }
0x25: {  	[dreg:$0x0] =	wrdreg $0x60  }
0x26: {  	[dreg:$0x2] =	wrdreg s25  }
0x27: {  	[dreg:$0x3] =	wrdreg s2  }
0x28: {  	[dreg:$0x4] =	wrdreg $0x9  }
0x29: {  	_ =	task.clear_ibuf [dreg:s7], $0x5FFFF;
	_ =	strace $0x9000005B  }
0x2a: {  	s29 =	simm.s32 $0x9;
	_ =	strace $0x8000005D  }
0x2b: {  	_ =	swait.ge [sflag:s29], $0x1  }
0x2c: {  	[sflag:s29] =	ssyncadd.s32 $0xFFFFFFFF  }
0x2d: {  	_ =	strace $0x9000005D  }
0x2e: {  	_ =	sfence  }
0x2f: {  	s30 =	sld [smem:$0x0];
	_ =	sdelay $0x2  }
0x30: {  	s31 =	sshll.u32 s1, $0xD;
	s1 =	sshrl.u32 s1, $0x2  }
0x31: {  	s3 =	sand.u32 $0x4000, s31;
	s1 =	sadd.s32 s1, s30  }
0x32: {  	s0 =	sor.u32 s3, s0;
	s1 =	sshll.u32 s1, $0x11  }
0x33: {  	s0 =	sor.u32 s1, s0  }
0x34: {  	s0 =	sadd.s32 $0x8F2B, s0  }
0x35: {  	[sflag:s0] =	ssyncadd.remote.s32 $0x1  }
0x36: {  	_ =	sfence.sel $0xFFFF  }
0x37: {  	[dreg:$0x0] =	wrdreg $0xFFFFFFFF;
	(pc) =	sbr.abs _section_cstart, $3  }
0x38: {  	[dreg:$0x1] =	wrdreg $0xFFFFFFFF  }
0x39: {  	_ =	task.clear_ibuf [dreg:s7], $0x2FFFF;
	_ =	strace $0x9FFFFFFF  }
0x3a: {  	(tm) =	ssettm $0x7FFFFFFF  }
0x3b: {  	_ =	shalt  }
tec
execute0_lowered:
.L_overlay_start_1:
0x0: {  	(tag) =	ssettag $0x1  }
0x1: {  	s0 =	rddreg [dreg:$0x0];
	s2 =	srdreg.scid  }
0x2: {  	s1 =	rddreg [dreg:$0x1];
	_ =	strace $0x8000005C;
	s4 =	simm.s32 $0x1  }
0x3: {  	s6 =	simm.s32 $0x2;
	s15 =	simm.s32 $0x0;
	s8 =	simm.s32 $0x40000  }
0x4: {  	s9 =	simm.s32 $0x0;
	s16 =	simm.s32 $0x0;
	s18 =	simm.s32 $0x0  }
0x5: {  	s17 =	simm.s32 $0x0;
	s10 =	simm.s32 $0x0;
	s2 =	sshll.u32 s2, $0x3  }
0x6: {  	s11 =	simm.s32 $0x0;
	s13 =	stileid.u32;
	s2 =	sand.u32 $0x8, s2  }
.Ltmp0:
0x7: {  	s14 =	simm.s32 $0x0;
	s3 =	ssub.s32 $0x200, s2;
	(pc) =	sbr.rel .LBB1_1-.Ltmp0, $4  }
0x8: {  	s24 =	simm.s32 $0x0;
	s5 =	sadd.s32 $0xB0FE00, s0;
	s31 =	sshrl.u32 s3, $0x3  }
0x9: {  	[sflag:s4] =	ssyncpa.u1 $0x0;
	s7 =	sshrl.u32 s3, $0x4;
	s0 =	sand.u32 $0x1, s31  }
0xa: {  	[sflag:s6] =	ssyncpa.u1 $0x0;
	s12 =	smov.u32 s2;
	s0 =	sadd.s32 s7, s0  }
0xb: {  	s3 =	stileid.u32;
	s6 =	sshll.u32 s0, $0x1;
	s7 =	sshllo.u32 s0, $0x1  }
.LBB1_7:
0xc: {  	s0 =	sadd.s32 $0x100, s10  }
0xd: {  	s15 =	sadd.s32 $0x8, s11;
	s19 =	smov.u32 s11;
	p1 =	sgt.s32 s0, $0x1FF  }
0xe: {  	s19 =	smov.u32 @p1 s15  }
0xf: {  	s20 =	smov.u32 s12;
	s15 =	sadd.s32 $0x10, s12;
	p2 =	sgt.s32 s19, $0x7  }
0x10: {  	s20 =	smov.u32 @p2 s15  }
0x11: {  	s21 =	smov.u32 s13;
	s15 =	sadd.s32 $0x10, s13;
	p3 =	sgt.s32 s20, $0x1FF  }
0x12: {  	p0 =	slt.u32 s14, $0x2;
	s21 =	smov.u32 @p3 s15  }
0x13: {  	s16 =	smov.u32 s11;
	s0 =	simm.s32 @p1 $0x0;
	p1 =	sgt.s32 s21, $0xF  }
0x14: {  	s22 =	simm.s32 @!p0 $0x2;
	s21 =	smov.u32 @p1 s3;
	p1 =	sne.s32 s14, s7  }
.Ltmp1:
0x15: {  	s18 =	smov.u32 s12;
	_ =	swait.ge @!p0 [sflag:s22], $0x4000;
	(pc) =	sbr.rel @!p1 .LBB1_8-.Ltmp1, $4  }
0x16: {  	s17 =	smov.u32 s13;
	[sflag:s22] =	ssyncset.done @!p0 $0x0;
	s19 =	simm.s32 @p2 $0x0  }
0x17: {  	s9 =	sadd.s32 $0x4000, s9;
	[sflag:s22] =	ssyncadd.s32 @!p0 $0xFFFFC000;
	s11 =	smov.u32 s19  }
0x18: {  	s20 =	smov.u32 @p3 s2;
	s15 =	smov.u32 s10;
	s10 =	smov.u32 s0  }
0x19: {  	s12 =	smov.u32 s20;
	s14 =	sadd.s32 $0x1, s14;
	s13 =	smov.u32 s21  }
.LBB1_1:
0x1a: {  	p0 =	sge.u32 s14, s6  }
0x1b: {  	s31 =	sadd.s32 $0xFFFFFFFF, s14;
	s0 =	sxor.u32 @!p0 $0xFFFFFFFF, s14;
	s19 =	sshll.u32 @!p0 s10, $0x3  }
0x1c: {  	s20 =	sshll.u32 @!p0 s11, $0x7;
	s21 =	sand.u32 @!p0 $0x78, s10;
	s22 =	sshll.u32 @!p0 s13, $0x12  }
0x1d: {  	s23 =	sshll.u32 @!p0 s12, $0x9;
	s0 =	sshll.u32 @!p0 s0, $0xE;
	s20 =	sand.u32 @!p0 $0x380, s20  }
0x1e: {  	s19 =	sand.u32 @!p0 $0xC00, s19;
	s0 =	sand.u32 @!p0 $0x4000, s0;
	s20 =	sor.u32 @!p0 s21, s20  }
0x1f: {  	s21 =	sand.u32 @!p0 $0x7, s10;
	s19 =	sor.u32 @!p0 s19, s20;
	s20 =	sadd.s32 @!p0 s5, s22  }
0x20: {  	s21 =	sshll.u32 @!p0 s21, $0x12;
	s19 =	sshrl.u32 @!p0 s19, $0x3;
	s20 =	sadd.s32 @!p0 s23, s20  }
0x21: {  	s19 =	sadd.s32 @!p0 s19, s20;
	s20 =	sor.u32 @!p0 $0x800, s21;
	s21 =	simm.s32 @!p0 $0x1000  }
0x22: {  	[tilespmem:s0], [sflag:$0x1] =	stream.strided.gather @!p0 [hbm4b:s19+s20], $0x4000, s21, s20, $0x38;
	[tilespmem:$0x10000] =	vst v63  }
0x23: {  	p0 =	sge.u32 s31, s6  }
.Ltmp2:
0x24: {  	_ = 	snop;
	(pc) =	sbr.rel @p0 .LBB1_7-.Ltmp2, $1  }
0x25: {  	_ =	sdelay $0x3  }
0x26: {  	s0 =	sshll.u32 s9, $0x2;
	_ =	swait.ge [sflag:s4], $0x4000;
	s19 =	sshll.u32 s14, $0xE  }
0x27: {  	p0 =	por $0x0, $0x0;
	s25 =	simm.s32 $0x0;
	s26 =	simm.s32 $0x0  }
0x28: {  	s0 =	sand.u32 $0x10000, s0;
	[sflag:s4] =	ssyncset.done $0x0;
	s22 =	sand.u32 $0x4000, s19  }
0x29: {  	s0 =	sshrl.u32 s0, $0x2;
	[sflag:s4] =	ssyncadd.s32 $0xFFFFC000;
	s19 =	sor.u32 $0x8000, s22  }
0x2a: {  	s20 =	sor.u32 $0x40, s0;
	s21 =	sor.u32 $0x8410, s0;
	s23 =	sadd.s32 $0x8400, s0  }
.LBB1_3:
0x2b: {  	v1 =	vld [tilespmem:s20+$0xFFFFFFD0]  }
0x2c: {  	v2 =	vld [tilespmem:s20+$0x430]  }
0x2d: {  	s0 =	sshll.u32 s26, $0xB;
	v4 =	vld [tilespmem:s20+$0xFFFFFFE0]  }
0x2e: {  	v7 =	vld [tilespmem:s20+$0xFFFFFFF0];
	v0 =	vmov s0  }
0x2f: {  	v8 =	vld [tilespmem:s20+$0x0]  }
0x30: {  	v9 =	vld [tilespmem:s20+$0x10];
	s0 =	sand.u32 $0x300, s24  }
0x31: {  	s27 =	sand.u32 $0x80, s24;
	v10 =	vld [tilespmem:s20+$0x20];
	s0 =	sadd.s32 s0, s22  }
0x32: {  	v11 =	vld [tilespmem:s20+$0x30];
	s0 =	sadd.s32 s27, s0;
	s27 =	simm.s32 $0x1;
	[tilespmem:s21+$0x60] =	vst v2  }
0x33: {  	s27 =	simm.s32 @!p0 $0x0;
	[tilespmem:s21+$0xFFFFFC00] =	vst v1;
	v3 =	vld.idx.msk [tilespmem:v0+s0+$0x400 ss:$0x1], $0xffff;
	s0 =	sshll.u32 s25, $0x2  }
0x34: {  	v6 =	vld [tilespmem:s20+$0x3D0];
	s27 =	sshll.u32 s27, $0x9;
	[tilespmem:s21+$0xFFFFFC10] =	vst v4;
	s0 =	sand.u32 $0xFFFFFC00, s0  }
0x35: {  	v5 =	vld [tilespmem:s20+$0x3E0];
	[tilespmem:s21+$0xFFFFFC20] =	vst v7;
	s0 =	sor.u32 s27, s0  }
0x36: {  	[tilespmem:s21+$0xFFFFFC30] =	vst v8;
	v4 =	vld [tilespmem:s20+$0x400];
	s0 =	sshrl.u32 s0, $0x2  }
0x37: {  	[tilespmem:s21+$0xFFFFFC40] =	vst v9;
	v1 =	vld [tilespmem:s20+$0x410];
	s27 =	sadd.s32 s0, s23  }
0x38: {  	[tilespmem:s27+$0x0] =	vst v3;
	v3 =	vld [tilespmem:s20+$0x3F0]  }
0x39: {  	s31 =	simm.s32 $0x80;
	s30 =	simm.s32 $0x100;
	[tilespmem:s21+$0xFFFFFC50] =	vst v10;
	v2 =	vld [tilespmem:s20+$0x420]  }
0x3a: {  	s28 =	sadd.s32 $0x80, s20;
	s29 =	smov.u32 s21;
	v7 =	vld [tilespmem:s20+$0xFFFFFFC0];
	[tilespmem:s21+$0xFFFFFC60] =	vst v11;
	s0 =	sand.u32 $0x300, s31  }
.LBB1_4:
0x3b: {  	p1 =	sne.s32 s30, $0x380;
	v8 =	vld [tilespmem:s28+$0xFFFFFFD0];
	s31 =	sand.u32 $0x80, s31;
	s0 =	sadd.s32 s0, s22;
	[tilespmem:s29+$0x0] =	vst v6  }
0x3c: {  	s0 =	sadd.s32 s31, s0;
	v6 =	vld [tilespmem:s28+$0x430];
	[tilespmem:s29+$0x10] =	vst v5;
	s31 =	smov.u32 s30  }
0x3d: {  	v5 =	vld.idx.msk [tilespmem:v0+s0+$0x400 ss:$0x1], $0xffff;
	[tilespmem:s29+$0x20] =	vst v3  }
0x3e: {  	v3 =	vld [tilespmem:s28+$0xFFFFFFE0];
	[tilespmem:s29+$0x30] =	vst v4  }
0x3f: {  	v4 =	vld [tilespmem:s28+$0xFFFFFFF0];
	[tilespmem:s29+$0xFFFFFBF0] =	vst v7  }
0x40: {  	v7 =	vld [tilespmem:s28+$0x0];
	[tilespmem:s29+$0x40] =	vst v1  }
0x41: {  	v1 =	vld [tilespmem:s28+$0x10];
	[tilespmem:s29+$0x50] =	vst v2;
	s29 =	sadd.s32 $0x800, s29  }
0x42: {  	s27 =	sadd.s32 $0x800, s27;
	v2 =	vld [tilespmem:s28+$0x20];
	[tilespmem:s29+$0x60] =	vst v6  }
0x43: {  	v9 =	vld [tilespmem:s28+$0x30];
	[tilespmem:s27+$0x0] =	vst v5  }
0x44: {  	[tilespmem:s29+$0xFFFFFC00] =	vst v8;
	v6 =	vld [tilespmem:s28+$0x3D0]  }
0x45: {  	[tilespmem:s29+$0xFFFFFC10] =	vst v3;
	v5 =	vld [tilespmem:s28+$0x3E0]  }
.Ltmp3:
0x46: {  	[tilespmem:s29+$0xFFFFFC20] =	vst v4;
	v3 =	vld [tilespmem:s28+$0x3F0];
	(pc) =	sbr.rel @p1 .LBB1_4-.Ltmp3, $4  }
0x47: {  	[tilespmem:s29+$0xFFFFFC30] =	vst v7;
	v4 =	vld [tilespmem:s28+$0x400]  }
0x48: {  	[tilespmem:s29+$0xFFFFFC40] =	vst v1;
	v1 =	vld [tilespmem:s28+$0x410]  }
0x49: {  	[tilespmem:s29+$0xFFFFFC50] =	vst v2;
	v2 =	vld [tilespmem:s28+$0x420]  }
0x4a: {  	s30 =	sadd.s32 $0x80, s30;
	s0 =	sand.u32 $0x300, s31;
	v7 =	vld [tilespmem:s28+$0xFFFFFFC0];
	[tilespmem:s29+$0xFFFFFC60] =	vst v9;
	s28 =	sadd.s32 $0x80, s28  }
0x4b: {  	[tilespmem:s29+$0x0] =	vst v6  }
0x4c: {  	[tilespmem:s29+$0x10] =	vst v5  }
0x4d: {  	v49 =	vld [tilespmem:s28+$0x430];
	[tilespmem:s29+$0x20] =	vst v3  }
0x4e: {  	v50 =	vld [tilespmem:s28+$0xFFFFFFD0];
	[tilespmem:s29+$0x30] =	vst v4  }
0x4f: {  	v51 =	vld [tilespmem:s28+$0xFFFFFFE0];
	[tilespmem:s29+$0x40] =	vst v1  }
0x50: {  	v52 =	vld [tilespmem:s28+$0xFFFFFFF0];
	[tilespmem:s29+$0x50] =	vst v2  }
0x51: {  	s30 =	sand.u32 $0x80, s31;
	s31 =	sadd.s32 $0x800, s29;
	v53 =	vld [tilespmem:s28+$0x0];
	[tilespmem:s29+$0xFFFFFBF0] =	vst v7  }
0x52: {  	v54 =	vld [tilespmem:s28+$0x10];
	[tilespmem:s31+$0x60] =	vst v49  }
0x53: {  	v55 =	vld [tilespmem:s28+$0x20];
	[tilespmem:s31+$0xFFFFFC00] =	vst v50  }
0x54: {  	v56 =	vld [tilespmem:s28+$0x30];
	[tilespmem:s31+$0xFFFFFC10] =	vst v51  }
0x55: {  	v57 =	vld [tilespmem:s28+$0x3D0];
	[tilespmem:s31+$0xFFFFFC20] =	vst v52  }
0x56: {  	v58 =	vld [tilespmem:s28+$0x3E0];
	[tilespmem:s31+$0xFFFFFC30] =	vst v53  }
0x57: {  	v59 =	vld [tilespmem:s28+$0x3F0];
	[tilespmem:s31+$0xFFFFFC40] =	vst v54  }
0x58: {  	v60 =	vld [tilespmem:s28+$0x400];
	[tilespmem:s31+$0xFFFFFC50] =	vst v55  }
0x59: {  	v61 =	vld [tilespmem:s28+$0xFFFFFFC0];
	[tilespmem:s31+$0xFFFFFC60] =	vst v56  }
0x5a: {  	s0 =	sadd.s32 s0, s22;
	v62 =	vld [tilespmem:s28+$0x410];
	[tilespmem:s31+$0x0] =	vst v57  }
0x5b: {  	v63 =	vld [tilespmem:s28+$0x420];
	s26 =	sadd.s32 $0x1, s26;
	s0 =	sadd.s32 s30, s0;
	[tilespmem:s31+$0x10] =	vst v58  }
0x5c: {  	p1 =	sne.s32 s26, $0x8;
	v0 =	vld.idx.msk [tilespmem:v0+s0+$0x400 ss:$0x1], $0xffff;
	[tilespmem:s31+$0x20] =	vst v59  }
.Ltmp4:
0x5d: {  	[tilespmem:s31+$0x30] =	vst v60;
	(pc) =	sbr.rel @p1 .LBB1_3-.Ltmp4, $4  }
0x5e: {  	[tilespmem:s31+$0xFFFFFBF0] =	vst v61  }
0x5f: {  	[tilespmem:s31+$0x40] =	vst v62  }
0x60: {  	s27 =	sadd.s32 $0x800, s27;
	s20 =	sadd.s32 $0x800, s20;
	[tilespmem:s31+$0x50] =	vst v63  }
0x61: {  	s25 =	sadd.s32 $0x80, s25;
	p0 =	por !p0, !p0;
	s21 =	sadd.s32 $0x80, s21;
	[tilespmem:s27+$0x0] =	vst v0  }
0x62: {  	s0 =	sand.u32 $0x78, s15  }
0x63: {  	s20 =	sshll.u32 s18, $0x9;
	s21 =	sshll.u32 s15, $0x3;
	s27 =	sshll.u32 s18, $0x7  }
0x64: {  	s17 =	sshll.u32 s17, $0x12;
	s16 =	sshll.u32 s16, $0xF;
	s30 =	sand.u32 $0x7, s15  }
0x65: {  	s20 =	sand.u32 $0x3F000, s20;
	s21 =	sand.u32 $0x3FC00, s21;
	s28 =	sand.u32 $0x200, s27  }
0x66: {  	s18 =	sand.u32 $0x180, s27;
	s17 =	sadd.s32 s1, s17;
	s20 =	sadd.s32 s20, s21  }
.Ltmp5:
0x67: {  	s0 =	sor.u32 s18, s0;
	s20 =	sor.u32 s28, s20;
	(pc) =	sbr.rel .LBB1_7-.Ltmp5, $4  }
0x68: {  	s16 =	sadd.s32 s16, s17;
	s0 =	sshrl.u32 s0, $0x3;
	s29 =	sshrl.u32 s20, $0x3  }
0x69: {  	s15 =	sshll.u32 s30, $0x12;
	s0 =	sadd.s32 s0, s16;
	s31 =	sand.u32 $0x7FC0, s29  }
0x6a: {  	s15 =	sor.u32 $0x800, s15;
	s0 =	sadd.s32 s31, s0  }
0x6b: {  	[hbm4b:s0+s15] =	stream.strided.scatter [tilespmem:s19], [sflag:$0x2], $0x4000, s8, s15, $0x38;
	[tilespmem:$0x10000] =	vst v63  }
.LBB1_8:
0x6c: {  	_ =	sfence.sel $0x180000  }
0x6d: {  	s0 =	simm.s32 $0x1;
	[bflag:$0x0] =	sbarrier.arrive $0xFFFF  }
0x6e: {  	s31 =	simm.s32 $0x2;
	[sflag:s0] =	ssyncpa.u1 $0x1  }
0x6f: {  	[sflag:s31] =	ssyncpa.u1 $0x1  }
0x70: {  	_ =	strace $0x9000005C  }
0x71: {  	[bflag:$0x2] =	sbarrier.arrive $0xFFFF  }
0x72: {  	p0 =	sne.s32 s3, $0x0;
	s0 =	rddreg [dreg:$0x2]  }
0x73: {  	s0 =	sadd.s32 @!p0 $0x100000, s0  }
0x74: {  	[sflag:s0] =	ssyncadd.tile.s32 @!p0 $0x1;
	_ =	shalt  }
.Lfunc_end1:
_tile_overlayer_lowered:
.L_overlay_start_2:
0x75: {  	(tag) =	ssettag $0x2  }
0x76: {  	s0 =	rddreg [dreg:$0x0];
	s2 =	stileid.u32  }
0x77: {  	s1 =	rddreg [dreg:$0x1];
	p0 =	sne.s32 s2, $0x0  }
0x78: {  	s3 =	rddreg [dreg:$0x2];
	[bflag:$0x3] =	sbarrier.arrive $0xFFFF;
	s2 =	simm.s32 @!p0 $0x1C01  }
0x79: {  	[timem:s3], [sflag:s2] =	dma.local @!p0 [hbm:s0], s1  }
0x7a: {  	s0 =	simm.s32 @!p0 $0x1  }
0x7b: {  	_ =	swait.ge @!p0 [sflag:s0], s1  }
0x7c: {  	s1 =	ssub.s32 @!p0 $0x0, s1;
	[sflag:s0] =	ssyncset.done @!p0 $0x0  }
0x7d: {  	[sflag:s0] =	ssyncadd.s32 @!p0 s1  }
0x7e: {  	[bflag:$0x3] =	sbarrier.arrive $0xFFFF  }
0x7f: {  	_ =	shalt  }

</sc_bundles>
